<compile_context>
chip_gen: v7x
topology: tpu7x:2x2x1
jax: 0.10.2.dev20260603
libtpu: 0.0.44.dev20260713+nightly
codegen_flags: <defaults>
</compile_context>

<pallas_src>
import functools

import jax
import jax.numpy as jnp
import numpy as np
from jax.experimental import pallas as pl
from jax.experimental.pallas import tpu as pltpu

NUM_CLASSES = 80
CONF_T = 0.05
IOU_T = 0.5
MAX_PER_CLASS = 100
MAX_DET = 100

N_ANCHORS = 49104
LANES = 128
ROWS = 384
CHUNK_ROWS = 48
CHUNK = CHUNK_ROWS * LANES
N_CHUNKS = ROWS // CHUNK_ROWS
DEPTH = 8
NCAND = DEPTH * LANES
INT_MIN = np.int32(-(2 ** 31))
IDX_BIG = np.int32(2 ** 31 - 1)


def _to_key(s):
    i = jax.lax.bitcast_convert_type(s, jnp.int32)
    return jnp.where(i < 0, i ^ jnp.int32(0x7FFFFFFF), i)


def _from_key(k):
    i = jnp.where(k < 0, k ^ jnp.int32(0x7FFFFFFF), k)
    return jax.lax.bitcast_convert_type(i, jnp.float32)


def _select_kernel(pred_ref, keys_ref, idx_ref, cov_ref, ck_ref, ci_ref, ov_ref):
    j = pl.program_id(1)

    @pl.when(j == 0)
    def _init():
        ck_ref[...] = jnp.full((NCAND, NUM_CLASSES), INT_MIN, jnp.int32)
        ci_ref[...] = jnp.full((NCAND, NUM_CLASSES), IDX_BIG, jnp.int32)
        ov_ref[...] = jnp.full((8, NUM_CLASSES), INT_MIN, jnp.int32)

    lists_k = [ck_ref[pl.ds(d * LANES, LANES), :] for d in range(DEPTH)]
    lists_i = [ci_ref[pl.ds(d * LANES, LANES), :] for d in range(DEPTH)]
    ov0 = ov_ref[0:1, :]

    lane_anchor = jax.lax.broadcasted_iota(jnp.int32, (LANES, NUM_CLASSES), 0)

    def body(r, carry):
        ov = carry[0]
        lk = list(carry[1])
        li = list(carry[2])
        p = pred_ref[0, pl.ds(r * LANES, LANES), :]
        logits = p[:, 4:4 + NUM_CLASSES]
        s = jax.nn.sigmoid(logits)
        masked = jnp.where(s >= CONF_T, s, -1.0)
        v = _to_key(masked)
        grow = j * CHUNK_ROWS + r
        anchor = grow * LANES + lane_anchor
        v = jnp.where(anchor < N_ANCHORS, v, INT_MIN)
        vi = anchor
        for d in range(DEPTH):
            gt = v > lk[d]
            nk = jnp.where(gt, v, lk[d])
            ni = jnp.where(gt, vi, li[d])
            v = jnp.where(gt, lk[d], v)
            vi = jnp.where(gt, li[d], vi)
            lk[d] = nk
            li[d] = ni
        ov = jnp.maximum(ov, jnp.max(v, axis=0, keepdims=True))
        return (ov, tuple(lk), tuple(li))

    ov, lk, li = jax.lax.fori_loop(
        0, CHUNK_ROWS, body, (ov0, tuple(lists_k), tuple(lists_i)))

    for d in range(DEPTH):
        ck_ref[pl.ds(d * LANES, LANES), :] = lk[d]
        ci_ref[pl.ds(d * LANES, LANES), :] = li[d]
    ov_ref[0:1, :] = ov

    @pl.when(j == N_CHUNKS - 1)
    def _tail():
        def ebody(t, v100):
            kc = ck_ref[...]
            ic = ci_ref[...]
            mk = jnp.max(kc, axis=0, keepdims=True)
            eq = kc == mk
            mi = jnp.min(jnp.where(eq, ic, IDX_BIG), axis=0, keepdims=True)
            keys_ref[0, pl.ds(t, 1), :] = mk
            idx_ref[0, pl.ds(t, 1), :] = mi
            ck_ref[...] = jnp.where(eq & (ic == mi), INT_MIN, kc)
            return mk

        v100 = jax.lax.fori_loop(
            0, MAX_PER_CLASS, ebody,
            jnp.full((1, NUM_CLASSES), INT_MIN, jnp.int32))
        covered = (ov_ref[0:1, :] < v100).astype(jnp.int32)
        cov_ref[0] = jnp.broadcast_to(covered, (8, NUM_CLASSES))


def _select_stage(predictions):
    batch = predictions.shape[0]
    keys, idx, cov = pl.pallas_call(
        _select_kernel,
        grid=(batch, N_CHUNKS),
        in_specs=[
            pl.BlockSpec((1, CHUNK, 4 + NUM_CLASSES), lambda b, j: (b, j, 0)),
        ],
        out_specs=[
            pl.BlockSpec((1, 128, NUM_CLASSES), lambda b, j: (b, 0, 0)),
            pl.BlockSpec((1, 128, NUM_CLASSES), lambda b, j: (b, 0, 0)),
            pl.BlockSpec((1, 8, NUM_CLASSES), lambda b, j: (b, 0, 0)),
        ],
        out_shape=[
            jax.ShapeDtypeStruct((batch, 128, NUM_CLASSES), jnp.int32),
            jax.ShapeDtypeStruct((batch, 128, NUM_CLASSES), jnp.int32),
            jax.ShapeDtypeStruct((batch, 8, NUM_CLASSES), jnp.int32),
        ],
        scratch_shapes=[
            pltpu.VMEM((NCAND, NUM_CLASSES), jnp.int32),
            pltpu.VMEM((NCAND, NUM_CLASSES), jnp.int32),
            pltpu.VMEM((8, NUM_CLASSES), jnp.int32),
        ],
    )(predictions)
    keys = keys[:, :MAX_PER_CLASS]
    idx = idx[:, :MAX_PER_CLASS]
    covered = jnp.all(cov[:, 0, :] == 1)
    return keys, idx, covered


def _decode_corners(box_pred, anc):
    var = jnp.array([0.1, 0.1, 0.2, 0.2], dtype=jnp.float32)
    b = box_pred * var
    xy = b[..., :2] * anc[..., 2:] + anc[..., :2]
    wh = jnp.exp(b[..., 2:]) * anc[..., 2:]
    bb = jnp.concatenate([xy, wh], axis=-1)
    return jnp.concatenate([bb[..., :2] - bb[..., 2:] / 2.0,
                            bb[..., :2] + bb[..., 2:] / 2.0], axis=-1)


def _nms_scan(cand, top_s):
    ar = jnp.arange(MAX_PER_CLASS)

    def one_class(cand_c, s_c):
        def body(sc, i):
            valid = sc[i] > 0.0
            b = cand_c[i]
            x1 = jnp.maximum(b[0], cand_c[:, 0])
            y1 = jnp.maximum(b[1], cand_c[:, 1])
            x2 = jnp.minimum(b[2], cand_c[:, 2])
            y2 = jnp.minimum(b[3], cand_c[:, 3])
            inter = jnp.clip(x2 - x1, 0.0) * jnp.clip(y2 - y1, 0.0)
            a1 = (b[2] - b[0]) * (b[3] - b[1])
            a2 = (cand_c[:, 2] - cand_c[:, 0]) * (cand_c[:, 3] - cand_c[:, 1])
            iou = inter / (a1 + a2 - inter + 1e-8)
            suppress = (iou > IOU_T) & (ar > i) & valid
            return jnp.where(suppress, -1.0, sc), None

        s_final, _ = jax.lax.scan(body, s_c, ar)
        return s_final

    return jax.vmap(one_class)(cand, top_s)


def _merge(cand, s):
    flat_s = s.reshape(-1)
    flat_b = cand.reshape(-1, 4)
    fs, fi = jax.lax.top_k(flat_s, MAX_DET)
    fb = flat_b[fi]
    cls_ids = fi // MAX_PER_CLASS
    valid = fs > 0.0
    cls_ids = jnp.where(valid, cls_ids, -1)
    num = jnp.sum(valid.astype(jnp.int32))
    return fb, fs, cls_ids, num


def _finish_image(pred_b, anchors, top_keys, top_idx):
    top_s = _from_key(top_keys.T)
    top_i = top_idx.T
    cand = _decode_corners(pred_b[:, :4][top_i], anchors[top_i])
    s = _nms_scan(cand, top_s)
    return _merge(cand, s)


def _fallback_image(pred_b, anchors):
    scores = jax.nn.sigmoid(pred_b[:, 4:])
    boxes_c = _decode_corners(pred_b[:, :4], anchors)

    def one_class(s_c):
        sm = jnp.where(s_c >= CONF_T, s_c, -1.0)
        return jax.lax.top_k(sm, MAX_PER_CLASS)

    top_s, top_i = jax.vmap(one_class, in_axes=1)(scores)
    cand = boxes_c[top_i]
    s = _nms_scan(cand, top_s)
    return _merge(cand, s)


@functools.partial(jax.jit, static_argnums=())
def kernel(images, predictions, anchor_boxes):
    del images
    keys, idx, covered = _select_stage(predictions)

    def fast(_):
        return jax.vmap(_finish_image, in_axes=(0, None, 0, 0))(
            predictions, anchor_boxes, keys, idx)

    def slow(_):
        return jax.vmap(_fallback_image, in_axes=(0, None))(
            predictions, anchor_boxes)

    return jax.lax.cond(covered, fast, slow, operand=None)

# --- scband reference (transcript-rebuilt; emitter-appended) ---
"""Pipeline reference for scband-decode-predictions-80376017977378 (READ-ONLY COPY).

The authoritative reference and input builder live on the scoring server;
editing this copy changes nothing except your own understanding.
"""

import jax, jax.numpy as jnp
import numpy as np

NUM_CLASSES = 80
CONF_T = 0.05
IOU_T = 0.5
MAX_PER_CLASS = 100
MAX_DET = 100
H = 512
W = 512
BATCH = 8


def _make_anchors(h, w):
    aspect_ratios = [0.5, 1.0, 2.0]
    scales = [2.0 ** 0.0, 2.0 ** (1.0 / 3.0), 2.0 ** (2.0 / 3.0)]
    areas = [32.0 ** 2, 64.0 ** 2, 128.0 ** 2, 256.0 ** 2, 512.0 ** 2]
    strides = [8, 16, 32, 64, 128]
    all_anchors = []
    for area, stride in zip(areas, strides):
        dims = []
        for ratio in aspect_ratios:
            ah = np.sqrt(area / ratio)
            aw = area / ah
            for s in scales:
                dims.append([aw * s, ah * s])
        dims = np.array(dims, dtype=np.float32)
        fh = int(np.ceil(h / stride))
        fw = int(np.ceil(w / stride))
        rx = (np.arange(fw, dtype=np.float32) + 0.5) * stride
        ry = (np.arange(fh, dtype=np.float32) + 0.5) * stride
        cx, cy = np.meshgrid(rx, ry)
        centers = np.stack([cx, cy], axis=-1).reshape(-1, 1, 2)
        centers = np.tile(centers, (1, dims.shape[0], 1))
        d = np.tile(dims[None, :, :], (centers.shape[0], 1, 1))
        anc = np.concatenate([centers, d], axis=-1).reshape(-1, 4)
        all_anchors.append(anc)
    return np.concatenate(all_anchors, axis=0).astype(np.float32)


def setup_inputs(seed: int = 0):
    key = jax.random.key(seed)
    k1, k2 = jax.random.split(key)
    anchors = jnp.asarray(_make_anchors(float(H), float(W)))
    n = anchors.shape[0]  # 49104
    images = jax.random.uniform(k1, (BATCH, H, W, 3), dtype=jnp.float32)
    predictions = jax.random.normal(k2, (BATCH, n, 4 + NUM_CLASSES), dtype=jnp.float32)
    return {"images": images, "predictions": predictions, "anchor_boxes": anchors}


def _decode(anchors, box_pred):
    var = jnp.array([0.1, 0.1, 0.2, 0.2], dtype=jnp.float32)
    b = box_pred * var
    xy = b[..., :2] * anchors[..., 2:] + anchors[..., :2]
    wh = jnp.exp(b[..., 2:]) * anchors[..., 2:]
    return jnp.concatenate([xy, wh], axis=-1)


def _to_corners(b):
    xy = b[..., :2]
    wh = b[..., 2:]
    return jnp.concatenate([xy - wh / 2.0, xy + wh / 2.0], axis=-1)


def _nms_one_class(boxes_c, scores):
    s = jnp.where(scores >= CONF_T, scores, -1.0)
    top_s, top_i = jax.lax.top_k(s, MAX_PER_CLASS)
    cand = boxes_c[top_i]
    ar = jnp.arange(MAX_PER_CLASS)

    def body(sc, i):
        valid = sc[i] > 0.0
        b = cand[i]
        x1 = jnp.maximum(b[0], cand[:, 0])
        y1 = jnp.maximum(b[1], cand[:, 1])
        x2 = jnp.minimum(b[2], cand[:, 2])
        y2 = jnp.minimum(b[3], cand[:, 3])
        inter = jnp.clip(x2 - x1, 0.0) * jnp.clip(y2 - y1, 0.0)
        a1 = (b[2] - b[0]) * (b[3] - b[1])
        a2 = (cand[:, 2] - cand[:, 0]) * (cand[:, 3] - cand[:, 1])
        iou = inter / (a1 + a2 - inter + 1e-8)
        suppress = (iou > IOU_T) & (ar > i) & valid
        return jnp.where(suppress, -1.0, sc), None

    s_final, _ = jax.lax.scan(body, top_s, ar)
    return cand, s_final


def _per_image(boxes_c, cls_scores):
    cand, s = jax.vmap(_nms_one_class, in_axes=(None, 1))(boxes_c, cls_scores)
    flat_s = s.reshape(-1)
    flat_b = cand.reshape(-1, 4)
    fs, fi = jax.lax.top_k(flat_s, MAX_DET)
    fb = flat_b[fi]
    cls_ids = fi // MAX_PER_CLASS
    valid = fs > 0.0
    cls_ids = jnp.where(valid, cls_ids, -1)
    num = jnp.sum(valid.astype(jnp.int32))
    return fb, fs, cls_ids, num


def reference(images, predictions, anchor_boxes):
    # images only define the anchor grid size (512x512), anchors precomputed
    box_pred = predictions[:, :, :4]
    cls_pred = jax.nn.sigmoid(predictions[:, :, 4:])
    boxes = _decode(anchor_boxes[None, :, :], box_pred)
    boxes_c = _to_corners(boxes)
    nmsed_boxes, nmsed_scores, nmsed_classes, num_det = jax.vmap(_per_image)(boxes_c, cls_pred)
    return nmsed_boxes, nmsed_scores, nmsed_classes, num_det

if __name__ == "__main__":
    import jax
    _d = setup_inputs()
    print(jax.jit(kernel)(*tuple(_d.values())))

</pallas_src>

<mosaic_0001>
module attributes {stable_mosaic.version = 14 : i64} {
  func.func @_select_kernel(%arg0: i32, %arg1: i32, %arg2: memref<1x6144x84xf32, #tpu.memory_space<vmem>>, %arg3: memref<1x128x80xi32, #tpu.memory_space<vmem>>, %arg4: memref<1x128x80xi32, #tpu.memory_space<vmem>>, %arg5: memref<1x8x80xi32, #tpu.memory_space<vmem>>, %arg6: memref<1024x80xi32, #tpu.memory_space<vmem>>, %arg7: memref<1024x80xi32, #tpu.memory_space<vmem>>, %arg8: memref<8x80xi32, #tpu.memory_space<vmem>>) attributes {dimension_semantics = [#tpu.dimension_semantics<arbitrary>, #tpu.dimension_semantics<arbitrary>], iteration_bounds = array<i64: 8, 8>, scalar_prefetch = 0 : i64, scratch_operands = 3 : i64, tpu.core_type = #tpu.core_type<tc>, window_params = [{transform_indices = @transform_0, window_bounds = array<i64: 1, 6144, 84>}, {transform_indices = @transform_1, window_bounds = array<i64: 1, 128, 80>}, {transform_indices = @transform_2, window_bounds = array<i64: 1, 128, 80>}, {transform_indices = @transform_3, window_bounds = array<i64: 1, 8, 80>}]} {
    %eq3A = arith.constant 0 : i32
    %eq3A_0 = arith.cmpi eq, %arg1, %eq3A : i32
    %convert_element_type3A = arith.extui %eq3A_0 : i1 to i32
    %cond3A = arith.constant 0 : i32
    %cond3A_1 = arith.cmpi ne, %convert_element_type3A, %cond3A : i32
    scf.if %cond3A_1 {
      %broadcast_in_dim3A = arith.constant -2147483648 : i32
      %broadcast_in_dim3A_112 = vector.broadcast %broadcast_in_dim3A : i32 to vector<1024x80xi32>
      %swap3A_113 = arith.constant 0 : index
      %swap3A_114 = arith.constant 0 : index
      %swap3A_115 = vector.load %arg6[%swap3A_113, %swap3A_114] : memref<1024x80xi32, #tpu.memory_space<vmem>>, vector<1024x80xi32>
      tpu.vector_store %arg6[%swap3A_113, %swap3A_114], %broadcast_in_dim3A_112 {strides = array<i32>} : memref<1024x80xi32, #tpu.memory_space<vmem>>, vector<1024x80xi32>,
      %broadcast_in_dim3A_116 = arith.constant 2147483647 : i32
      %broadcast_in_dim3A_117 = vector.broadcast %broadcast_in_dim3A_116 : i32 to vector<1024x80xi32>
      %swap3A_118 = arith.constant 0 : index
      %swap3A_119 = arith.constant 0 : index
      %swap3A_120 = vector.load %arg7[%swap3A_118, %swap3A_119] : memref<1024x80xi32, #tpu.memory_space<vmem>>, vector<1024x80xi32>
      tpu.vector_store %arg7[%swap3A_118, %swap3A_119], %broadcast_in_dim3A_117 {strides = array<i32>} : memref<1024x80xi32, #tpu.memory_space<vmem>>, vector<1024x80xi32>,
      %broadcast_in_dim3A_121 = arith.constant -2147483648 : i32
      %broadcast_in_dim3A_122 = vector.broadcast %broadcast_in_dim3A_121 : i32 to vector<8x80xi32>
      %swap3A_123 = arith.constant 0 : index
      %swap3A_124 = arith.constant 0 : index
      %swap3A_125 = vector.load %arg8[%swap3A_123, %swap3A_124] : memref<8x80xi32, #tpu.memory_space<vmem>>, vector<8x80xi32>
      tpu.vector_store %arg8[%swap3A_123, %swap3A_124], %broadcast_in_dim3A_122 {strides = array<i32>} : memref<8x80xi32, #tpu.memory_space<vmem>>, vector<8x80xi32>,
    } else {
    }
    %get3A = arith.constant 0 : index
    %get3A_2 = arith.constant 0 : index
    %get3A_3 = vector.load %arg6[%get3A, %get3A_2] : memref<1024x80xi32, #tpu.memory_space<vmem>>, vector<128x80xi32>
    %get3A_4 = arith.constant 128 : index
    %get3A_5 = arith.constant 0 : index
    %get3A_6 = vector.load %arg6[%get3A_4, %get3A_5] : memref<1024x80xi32, #tpu.memory_space<vmem>>, vector<128x80xi32>
    %get3A_7 = arith.constant 256 : index
    %get3A_8 = arith.constant 0 : index
    %get3A_9 = vector.load %arg6[%get3A_7, %get3A_8] : memref<1024x80xi32, #tpu.memory_space<vmem>>, vector<128x80xi32>
    %get3A_10 = arith.constant 384 : index
    %get3A_11 = arith.constant 0 : index
    %get3A_12 = vector.load %arg6[%get3A_10, %get3A_11] : memref<1024x80xi32, #tpu.memory_space<vmem>>, vector<128x80xi32>
    %get3A_13 = arith.constant 512 : index
    %get3A_14 = arith.constant 0 : index
    %get3A_15 = vector.load %arg6[%get3A_13, %get3A_14] : memref<1024x80xi32, #tpu.memory_space<vmem>>, vector<128x80xi32>
    %get3A_16 = arith.constant 640 : index
    %get3A_17 = arith.constant 0 : index
    %get3A_18 = vector.load %arg6[%get3A_16, %get3A_17] : memref<1024x80xi32, #tpu.memory_space<vmem>>, vector<128x80xi32>
    %get3A_19 = arith.constant 768 : index
    %get3A_20 = arith.constant 0 : index
    %get3A_21 = vector.load %arg6[%get3A_19, %get3A_20] : memref<1024x80xi32, #tpu.memory_space<vmem>>, vector<128x80xi32>
    %get3A_22 = arith.constant 896 : index
    %get3A_23 = arith.constant 0 : index
    %get3A_24 = vector.load %arg6[%get3A_22, %get3A_23] : memref<1024x80xi32, #tpu.memory_space<vmem>>, vector<128x80xi32>
    %get3A_25 = arith.constant 0 : index
    %get3A_26 = arith.constant 0 : index
    %get3A_27 = vector.load %arg7[%get3A_25, %get3A_26] : memref<1024x80xi32, #tpu.memory_space<vmem>>, vector<128x80xi32>
    %get3A_28 = arith.constant 128 : index
    %get3A_29 = arith.constant 0 : index
    %get3A_30 = vector.load %arg7[%get3A_28, %get3A_29] : memref<1024x80xi32, #tpu.memory_space<vmem>>, vector<128x80xi32>
    %get3A_31 = arith.constant 256 : index
    %get3A_32 = arith.constant 0 : index
    %get3A_33 = vector.load %arg7[%get3A_31, %get3A_32] : memref<1024x80xi32, #tpu.memory_space<vmem>>, vector<128x80xi32>
    %get3A_34 = arith.constant 384 : index
    %get3A_35 = arith.constant 0 : index
    %get3A_36 = vector.load %arg7[%get3A_34, %get3A_35] : memref<1024x80xi32, #tpu.memory_space<vmem>>, vector<128x80xi32>
    %get3A_37 = arith.constant 512 : index
    %get3A_38 = arith.constant 0 : index
    %get3A_39 = vector.load %arg7[%get3A_37, %get3A_38] : memref<1024x80xi32, #tpu.memory_space<vmem>>, vector<128x80xi32>
    %get3A_40 = arith.constant 640 : index
    %get3A_41 = arith.constant 0 : index
    %get3A_42 = vector.load %arg7[%get3A_40, %get3A_41] : memref<1024x80xi32, #tpu.memory_space<vmem>>, vector<128x80xi32>
    %get3A_43 = arith.constant 768 : index
    %get3A_44 = arith.constant 0 : index
    %get3A_45 = vector.load %arg7[%get3A_43, %get3A_44] : memref<1024x80xi32, #tpu.memory_space<vmem>>, vector<128x80xi32>
    %get3A_46 = arith.constant 896 : index
    %get3A_47 = arith.constant 0 : index
    %get3A_48 = vector.load %arg7[%get3A_46, %get3A_47] : memref<1024x80xi32, #tpu.memory_space<vmem>>, vector<128x80xi32>
    %get3A_49 = arith.constant 0 : index
    %get3A_50 = arith.constant 0 : index
    %get3A_51 = vector.load %arg8[%get3A_49, %get3A_50] : memref<8x80xi32, #tpu.memory_space<vmem>>, vector<1x80xi32>
    %iota3A = tpu.iota {dimensions = array<i32: 0>} : vector<128x80xi32>
    %scan3A = arith.constant 0 : i32
    %scan3A_52 = arith.constant 48 : i32
    %scan3A_53 = arith.addi %scan3A, %scan3A_52 : i32
    %scan3A_54 = arith.constant 1 : i32
    %scan3A_55:17 = scf.for %scan3A_112 = %scan3A to %scan3A_53 step %scan3A_54 iter_args(%scan3A_113 = %get3A_51, %scan3A_114 = %get3A_3, %scan3A_115 = %get3A_6, %scan3A_116 = %get3A_9, %scan3A_117 = %get3A_12, %scan3A_118 = %get3A_15, %scan3A_119 = %get3A_18, %scan3A_120 = %get3A_21, %scan3A_121 = %get3A_24, %scan3A_122 = %get3A_27, %scan3A_123 = %get3A_30, %scan3A_124 = %get3A_33, %scan3A_125 = %get3A_36, %scan3A_126 = %get3A_39, %scan3A_127 = %get3A_42, %scan3A_128 = %get3A_45, %scan3A_129 = %get3A_48) -> (vector<1x80xi32>, vector<128x80xi32>, vector<128x80xi32>, vector<128x80xi32>, vector<128x80xi32>, vector<128x80xi32>, vector<128x80xi32>, vector<128x80xi32>, vector<128x80xi32>, vector<128x80xi32>, vector<128x80xi32>, vector<128x80xi32>, vector<128x80xi32>, vector<128x80xi32>, vector<128x80xi32>, vector<128x80xi32>, vector<128x80xi32>)  : i32 {
      %mul3A = arith.constant 128 : i32
      %mul3A_130 = arith.muli %scan3A_112, %mul3A : i32
      %get3A_131 = arith.constant 0 : index
      %get3A_132 = arith.index_cast %mul3A_130 : i32 to index
      %get3A_133 = arith.constant 0 : index
      %get3A_134 = vector.load %arg2[%get3A_131, %get3A_132, %get3A_133] : memref<1x6144x84xf32, #tpu.memory_space<vmem>>, vector<1x128x84xf32>
      %get3A_135 = vector.shape_cast %get3A_134 : vector<1x128x84xf32> to vector<128x84xf32>
      %slice3A = vector.extract_strided_slice %get3A_135 {offsets = [0, 4], sizes = [128, 80], strides = [1, 1]} : vector<128x84xf32> to vector<128x80xf32>
      %logistic3A = arith.negf %slice3A : vector<128x80xf32>
      %logistic3A_136 = math.exp %logistic3A : vector<128x80xf32>
      %logistic3A_137 = arith.constant 1.000000e+00 : f32
      %logistic3A_138 = vector.broadcast %logistic3A_137 : f32 to vector<128x80xf32>
      %logistic3A_139 = arith.addf %logistic3A_138, %logistic3A_136 : vector<128x80xf32>
      %logistic3A_140 = arith.divf %logistic3A_138, %logistic3A_139 : vector<128x80xf32>
      %ge3A = arith.constant 5.000000e-02 : f32
      %ge3A_141 = vector.broadcast %ge3A : f32 to vector<128x80xf32>
      %ge3A_142 = arith.cmpf oge, %logistic3A_140, %ge3A_141 : vector<128x80xf32>
      %jit3A = arith.constant -1.000000e+00 : f32
      %broadcast_in_dim3A = vector.broadcast %jit3A : f32 to vector<128x80xf32>
      %select_n3A = arith.select %ge3A_142, %logistic3A_140, %broadcast_in_dim3A : vector<128x80xi1>, vector<128x80xf32>
      %bitcast_convert_type3A = tpu.bitcast %select_n3A : vector<128x80xf32> -> vector<128x80xi32>
      %lt3A = arith.constant 0 : i32
      %lt3A_143 = vector.broadcast %lt3A : i32 to vector<128x80xi32>
      %lt3A_144 = arith.cmpi slt, %bitcast_convert_type3A, %lt3A_143 : vector<128x80xi32>
      %xor3A = arith.constant 2147483647 : i32
      %xor3A_145 = vector.broadcast %xor3A : i32 to vector<128x80xi32>
      %xor3A_146 = arith.xori %bitcast_convert_type3A, %xor3A_145 : vector<128x80xi32>
      %select_n3A_147 = arith.select %lt3A_144, %xor3A_146, %bitcast_convert_type3A : vector<128x80xi1>, vector<128x80xi32>
      %mul3A_148 = arith.constant 48 : i32
      %mul3A_149 = arith.muli %arg1, %mul3A_148 : i32
      %add3A = arith.addi %mul3A_149, %scan3A_112 : i32
      %mul3A_150 = arith.constant 128 : i32
      %mul3A_151 = arith.muli %add3A, %mul3A_150 : i32
      %add3A_152 = vector.broadcast %mul3A_151 : i32 to vector<128x80xi32>
      %add3A_153 = arith.addi %add3A_152, %iota3A : vector<128x80xi32>
      %lt3A_154 = arith.constant 49104 : i32
      %lt3A_155 = vector.broadcast %lt3A_154 : i32 to vector<128x80xi32>
      %lt3A_156 = arith.cmpi slt, %add3A_153, %lt3A_155 : vector<128x80xi32>
      %jit3A_157 = arith.constant -2147483648 : i32
      %broadcast_in_dim3A_158 = vector.broadcast %jit3A_157 : i32 to vector<128x80xi32>
      %select_n3A_159 = arith.select %lt3A_156, %select_n3A_147, %broadcast_in_dim3A_158 : vector<128x80xi1>, vector<128x80xi32>
      %gt3A = arith.cmpi sgt, %select_n3A_159, %scan3A_114 : vector<128x80xi32>
      %select_n3A_160 = arith.select %gt3A, %select_n3A_159, %scan3A_114 : vector<128x80xi1>, vector<128x80xi32>
      %select_n3A_161 = arith.select %gt3A, %add3A_153, %scan3A_122 : vector<128x80xi1>, vector<128x80xi32>
      %select_n3A_162 = arith.select %gt3A, %scan3A_114, %select_n3A_159 : vector<128x80xi1>, vector<128x80xi32>
      %select_n3A_163 = arith.select %gt3A, %scan3A_122, %add3A_153 : vector<128x80xi1>, vector<128x80xi32>
      %gt3A_164 = arith.cmpi sgt, %select_n3A_162, %scan3A_115 : vector<128x80xi32>
      %select_n3A_165 = arith.select %gt3A_164, %select_n3A_162, %scan3A_115 : vector<128x80xi1>, vector<128x80xi32>
      %select_n3A_166 = arith.select %gt3A_164, %select_n3A_163, %scan3A_123 : vector<128x80xi1>, vector<128x80xi32>
      %select_n3A_167 = arith.select %gt3A_164, %scan3A_115, %select_n3A_162 : vector<128x80xi1>, vector<128x80xi32>
      %select_n3A_168 = arith.select %gt3A_164, %scan3A_123, %select_n3A_163 : vector<128x80xi1>, vector<128x80xi32>
      %gt3A_169 = arith.cmpi sgt, %select_n3A_167, %scan3A_116 : vector<128x80xi32>
      %select_n3A_170 = arith.select %gt3A_169, %select_n3A_167, %scan3A_116 : vector<128x80xi1>, vector<128x80xi32>
      %select_n3A_171 = arith.select %gt3A_169, %select_n3A_168, %scan3A_124 : vector<128x80xi1>, vector<128x80xi32>
      %select_n3A_172 = arith.select %gt3A_169, %scan3A_116, %select_n3A_167 : vector<128x80xi1>, vector<128x80xi32>
      %select_n3A_173 = arith.select %gt3A_169, %scan3A_124, %select_n3A_168 : vector<128x80xi1>, vector<128x80xi32>
      %gt3A_174 = arith.cmpi sgt, %select_n3A_172, %scan3A_117 : vector<128x80xi32>
      %select_n3A_175 = arith.select %gt3A_174, %select_n3A_172, %scan3A_117 : vector<128x80xi1>, vector<128x80xi32>
      %select_n3A_176 = arith.select %gt3A_174, %select_n3A_173, %scan3A_125 : vector<128x80xi1>, vector<128x80xi32>
      %select_n3A_177 = arith.select %gt3A_174, %scan3A_117, %select_n3A_172 : vector<128x80xi1>, vector<128x80xi32>
      %select_n3A_178 = arith.select %gt3A_174, %scan3A_125, %select_n3A_173 : vector<128x80xi1>, vector<128x80xi32>
      %gt3A_179 = arith.cmpi sgt, %select_n3A_177, %scan3A_118 : vector<128x80xi32>
      %select_n3A_180 = arith.select %gt3A_179, %select_n3A_177, %scan3A_118 : vector<128x80xi1>, vector<128x80xi32>
      %select_n3A_181 = arith.select %gt3A_179, %select_n3A_178, %scan3A_126 : vector<128x80xi1>, vector<128x80xi32>
      %select_n3A_182 = arith.select %gt3A_179, %scan3A_118, %select_n3A_177 : vector<128x80xi1>, vector<128x80xi32>
      %select_n3A_183 = arith.select %gt3A_179, %scan3A_126, %select_n3A_178 : vector<128x80xi1>, vector<128x80xi32>
      %gt3A_184 = arith.cmpi sgt, %select_n3A_182, %scan3A_119 : vector<128x80xi32>
      %select_n3A_185 = arith.select %gt3A_184, %select_n3A_182, %scan3A_119 : vector<128x80xi1>, vector<128x80xi32>
      %select_n3A_186 = arith.select %gt3A_184, %select_n3A_183, %scan3A_127 : vector<128x80xi1>, vector<128x80xi32>
      %select_n3A_187 = arith.select %gt3A_184, %scan3A_119, %select_n3A_182 : vector<128x80xi1>, vector<128x80xi32>
      %select_n3A_188 = arith.select %gt3A_184, %scan3A_127, %select_n3A_183 : vector<128x80xi1>, vector<128x80xi32>
      %gt3A_189 = arith.cmpi sgt, %select_n3A_187, %scan3A_120 : vector<128x80xi32>
      %select_n3A_190 = arith.select %gt3A_189, %select_n3A_187, %scan3A_120 : vector<128x80xi1>, vector<128x80xi32>
      %select_n3A_191 = arith.select %gt3A_189, %select_n3A_188, %scan3A_128 : vector<128x80xi1>, vector<128x80xi32>
      %select_n3A_192 = arith.select %gt3A_189, %scan3A_120, %select_n3A_187 : vector<128x80xi1>, vector<128x80xi32>
      %select_n3A_193 = arith.select %gt3A_189, %scan3A_128, %select_n3A_188 : vector<128x80xi1>, vector<128x80xi32>
      %gt3A_194 = arith.cmpi sgt, %select_n3A_192, %scan3A_121 : vector<128x80xi32>
      %select_n3A_195 = arith.select %gt3A_194, %select_n3A_192, %scan3A_121 : vector<128x80xi1>, vector<128x80xi32>
      %select_n3A_196 = arith.select %gt3A_194, %select_n3A_193, %scan3A_129 : vector<128x80xi1>, vector<128x80xi32>
      %select_n3A_197 = arith.select %gt3A_194, %scan3A_121, %select_n3A_192 : vector<128x80xi1>, vector<128x80xi32>
      %reduce_max3A = arith.constant dense<-2147483648> : vector<80xi32>
      %reduce_max3A_198 = vector.multi_reduction <maxsi>, %select_n3A_197, %reduce_max3A [0] : vector<128x80xi32> to vector<80xi32>
      %broadcast_in_dim3A_199 = vector.shape_cast %reduce_max3A_198 : vector<80xi32> to vector<1x80xi32>
      %max3A = arith.maxsi %scan3A_113, %broadcast_in_dim3A_199 : vector<1x80xi32>
      scf.yield %max3A, %select_n3A_160, %select_n3A_165, %select_n3A_170, %select_n3A_175, %select_n3A_180, %select_n3A_185, %select_n3A_190, %select_n3A_195, %select_n3A_161, %select_n3A_166, %select_n3A_171, %select_n3A_176, %select_n3A_181, %select_n3A_186, %select_n3A_191, %select_n3A_196 : vector<1x80xi32>, vector<128x80xi32>, vector<128x80xi32>, vector<128x80xi32>, vector<128x80xi32>, vector<128x80xi32>, vector<128x80xi32>, vector<128x80xi32>, vector<128x80xi32>, vector<128x80xi32>, vector<128x80xi32>, vector<128x80xi32>, vector<128x80xi32>, vector<128x80xi32>, vector<128x80xi32>, vector<128x80xi32>, vector<128x80xi32>
    }
    %scan3A_56 = arith.constant 48 : i32
    %swap3A = arith.constant 0 : index
    %swap3A_57 = arith.constant 0 : index
    %swap3A_58 = vector.load %arg6[%swap3A, %swap3A_57] : memref<1024x80xi32, #tpu.memory_space<vmem>>, vector<128x80xi32>
    tpu.vector_store %arg6[%swap3A, %swap3A_57], %scan3A_55#1 {strides = array<i32>} : memref<1024x80xi32, #tpu.memory_space<vmem>>, vector<128x80xi32>,
    %swap3A_59 = arith.constant 0 : index
    %swap3A_60 = arith.constant 0 : index
    %swap3A_61 = vector.load %arg7[%swap3A_59, %swap3A_60] : memref<1024x80xi32, #tpu.memory_space<vmem>>, vector<128x80xi32>
    tpu.vector_store %arg7[%swap3A_59, %swap3A_60], %scan3A_55#9 {strides = array<i32>} : memref<1024x80xi32, #tpu.memory_space<vmem>>, vector<128x80xi32>,
    %swap3A_62 = arith.constant 128 : index
    %swap3A_63 = arith.constant 0 : index
    %swap3A_64 = vector.load %arg6[%swap3A_62, %swap3A_63] : memref<1024x80xi32, #tpu.memory_space<vmem>>, vector<128x80xi32>
    tpu.vector_store %arg6[%swap3A_62, %swap3A_63], %scan3A_55#2 {strides = array<i32>} : memref<1024x80xi32, #tpu.memory_space<vmem>>, vector<128x80xi32>,
    %swap3A_65 = arith.constant 128 : index
    %swap3A_66 = arith.constant 0 : index
    %swap3A_67 = vector.load %arg7[%swap3A_65, %swap3A_66] : memref<1024x80xi32, #tpu.memory_space<vmem>>, vector<128x80xi32>
    tpu.vector_store %arg7[%swap3A_65, %swap3A_66], %scan3A_55#10 {strides = array<i32>} : memref<1024x80xi32, #tpu.memory_space<vmem>>, vector<128x80xi32>,
    %swap3A_68 = arith.constant 256 : index
    %swap3A_69 = arith.constant 0 : index
    %swap3A_70 = vector.load %arg6[%swap3A_68, %swap3A_69] : memref<1024x80xi32, #tpu.memory_space<vmem>>, vector<128x80xi32>
    tpu.vector_store %arg6[%swap3A_68, %swap3A_69], %scan3A_55#3 {strides = array<i32>} : memref<1024x80xi32, #tpu.memory_space<vmem>>, vector<128x80xi32>,
    %swap3A_71 = arith.constant 256 : index
    %swap3A_72 = arith.constant 0 : index
    %swap3A_73 = vector.load %arg7[%swap3A_71, %swap3A_72] : memref<1024x80xi32, #tpu.memory_space<vmem>>, vector<128x80xi32>
    tpu.vector_store %arg7[%swap3A_71, %swap3A_72], %scan3A_55#11 {strides = array<i32>} : memref<1024x80xi32, #tpu.memory_space<vmem>>, vector<128x80xi32>,
    %swap3A_74 = arith.constant 384 : index
    %swap3A_75 = arith.constant 0 : index
    %swap3A_76 = vector.load %arg6[%swap3A_74, %swap3A_75] : memref<1024x80xi32, #tpu.memory_space<vmem>>, vector<128x80xi32>
    tpu.vector_store %arg6[%swap3A_74, %swap3A_75], %scan3A_55#4 {strides = array<i32>} : memref<1024x80xi32, #tpu.memory_space<vmem>>, vector<128x80xi32>,
    %swap3A_77 = arith.constant 384 : index
    %swap3A_78 = arith.constant 0 : index
    %swap3A_79 = vector.load %arg7[%swap3A_77, %swap3A_78] : memref<1024x80xi32, #tpu.memory_space<vmem>>, vector<128x80xi32>
    tpu.vector_store %arg7[%swap3A_77, %swap3A_78], %scan3A_55#12 {strides = array<i32>} : memref<1024x80xi32, #tpu.memory_space<vmem>>, vector<128x80xi32>,
    %swap3A_80 = arith.constant 512 : index
    %swap3A_81 = arith.constant 0 : index
    %swap3A_82 = vector.load %arg6[%swap3A_80, %swap3A_81] : memref<1024x80xi32, #tpu.memory_space<vmem>>, vector<128x80xi32>
    tpu.vector_store %arg6[%swap3A_80, %swap3A_81], %scan3A_55#5 {strides = array<i32>} : memref<1024x80xi32, #tpu.memory_space<vmem>>, vector<128x80xi32>,
    %swap3A_83 = arith.constant 512 : index
    %swap3A_84 = arith.constant 0 : index
    %swap3A_85 = vector.load %arg7[%swap3A_83, %swap3A_84] : memref<1024x80xi32, #tpu.memory_space<vmem>>, vector<128x80xi32>
    tpu.vector_store %arg7[%swap3A_83, %swap3A_84], %scan3A_55#13 {strides = array<i32>} : memref<1024x80xi32, #tpu.memory_space<vmem>>, vector<128x80xi32>,
    %swap3A_86 = arith.constant 640 : index
    %swap3A_87 = arith.constant 0 : index
    %swap3A_88 = vector.load %arg6[%swap3A_86, %swap3A_87] : memref<1024x80xi32, #tpu.memory_space<vmem>>, vector<128x80xi32>
    tpu.vector_store %arg6[%swap3A_86, %swap3A_87], %scan3A_55#6 {strides = array<i32>} : memref<1024x80xi32, #tpu.memory_space<vmem>>, vector<128x80xi32>,
    %swap3A_89 = arith.constant 640 : index
    %swap3A_90 = arith.constant 0 : index
    %swap3A_91 = vector.load %arg7[%swap3A_89, %swap3A_90] : memref<1024x80xi32, #tpu.memory_space<vmem>>, vector<128x80xi32>
    tpu.vector_store %arg7[%swap3A_89, %swap3A_90], %scan3A_55#14 {strides = array<i32>} : memref<1024x80xi32, #tpu.memory_space<vmem>>, vector<128x80xi32>,
    %swap3A_92 = arith.constant 768 : index
    %swap3A_93 = arith.constant 0 : index
    %swap3A_94 = vector.load %arg6[%swap3A_92, %swap3A_93] : memref<1024x80xi32, #tpu.memory_space<vmem>>, vector<128x80xi32>
    tpu.vector_store %arg6[%swap3A_92, %swap3A_93], %scan3A_55#7 {strides = array<i32>} : memref<1024x80xi32, #tpu.memory_space<vmem>>, vector<128x80xi32>,
    %swap3A_95 = arith.constant 768 : index
    %swap3A_96 = arith.constant 0 : index
    %swap3A_97 = vector.load %arg7[%swap3A_95, %swap3A_96] : memref<1024x80xi32, #tpu.memory_space<vmem>>, vector<128x80xi32>
    tpu.vector_store %arg7[%swap3A_95, %swap3A_96], %scan3A_55#15 {strides = array<i32>} : memref<1024x80xi32, #tpu.memory_space<vmem>>, vector<128x80xi32>,
    %swap3A_98 = arith.constant 896 : index
    %swap3A_99 = arith.constant 0 : index
    %swap3A_100 = vector.load %arg6[%swap3A_98, %swap3A_99] : memref<1024x80xi32, #tpu.memory_space<vmem>>, vector<128x80xi32>
    tpu.vector_store %arg6[%swap3A_98, %swap3A_99], %scan3A_55#8 {strides = array<i32>} : memref<1024x80xi32, #tpu.memory_space<vmem>>, vector<128x80xi32>,
    %swap3A_101 = arith.constant 896 : index
    %swap3A_102 = arith.constant 0 : index
    %swap3A_103 = vector.load %arg7[%swap3A_101, %swap3A_102] : memref<1024x80xi32, #tpu.memory_space<vmem>>, vector<128x80xi32>
    tpu.vector_store %arg7[%swap3A_101, %swap3A_102], %scan3A_55#16 {strides = array<i32>} : memref<1024x80xi32, #tpu.memory_space<vmem>>, vector<128x80xi32>,
    %swap3A_104 = arith.constant 0 : index
    %swap3A_105 = arith.constant 0 : index
    %swap3A_106 = vector.load %arg8[%swap3A_104, %swap3A_105] : memref<8x80xi32, #tpu.memory_space<vmem>>, vector<1x80xi32>
    tpu.vector_store %arg8[%swap3A_104, %swap3A_105], %scan3A_55#0 {strides = array<i32>} : memref<8x80xi32, #tpu.memory_space<vmem>>, vector<1x80xi32>,
    %eq3A_107 = arith.constant 7 : i32
    %eq3A_108 = arith.cmpi eq, %arg1, %eq3A_107 : i32
    %convert_element_type3A_109 = arith.extui %eq3A_108 : i1 to i32
    %cond3A_110 = arith.constant 0 : i32
    %cond3A_111 = arith.cmpi ne, %convert_element_type3A_109, %cond3A_110 : i32
    scf.if %cond3A_111 {
      %broadcast_in_dim3A = arith.constant -2147483648 : i32
      %broadcast_in_dim3A_112 = vector.broadcast %broadcast_in_dim3A : i32 to vector<1x80xi32>
      %scan3A_113 = arith.constant 0 : i32
      %scan3A_114 = arith.constant 100 : i32
      %scan3A_115 = arith.addi %scan3A_113, %scan3A_114 : i32
      %scan3A_116 = arith.constant 1 : i32
      %scan3A_117 = scf.for %scan3A_131 = %scan3A_113 to %scan3A_115 step %scan3A_116 iter_args(%scan3A_132 = %broadcast_in_dim3A_112) -> (vector<1x80xi32>)  : i32 {
        %get3A_133 = arith.constant 0 : index
        %get3A_134 = arith.constant 0 : index
        %get3A_135 = vector.load %arg6[%get3A_133, %get3A_134] : memref<1024x80xi32, #tpu.memory_space<vmem>>, vector<1024x80xi32>
        %get3A_136 = arith.constant 0 : index
        %get3A_137 = arith.constant 0 : index
        %get3A_138 = vector.load %arg7[%get3A_136, %get3A_137] : memref<1024x80xi32, #tpu.memory_space<vmem>>, vector<1024x80xi32>
        %reduce_max3A = arith.constant dense<-2147483648> : vector<80xi32>
        %reduce_max3A_139 = vector.multi_reduction <maxsi>, %get3A_135, %reduce_max3A [0] : vector<1024x80xi32> to vector<80xi32>
        %broadcast_in_dim3A_140 = vector.shape_cast %reduce_max3A_139 : vector<80xi32> to vector<1x80xi32>
        %eq3A_141 = vector.broadcast %broadcast_in_dim3A_140 : vector<1x80xi32> to vector<1024x80xi32>
        %eq3A_142 = arith.cmpi eq, %get3A_135, %eq3A_141 : vector<1024x80xi32>
        %jit3A = arith.constant 2147483647 : i32
        %broadcast_in_dim3A_143 = vector.broadcast %jit3A : i32 to vector<1024x80xi32>
        %select_n3A = arith.select %eq3A_142, %get3A_138, %broadcast_in_dim3A_143 : vector<1024x80xi1>, vector<1024x80xi32>
        %reduce_min3A = arith.constant dense<2147483647> : vector<80xi32>
        %reduce_min3A_144 = vector.multi_reduction <minsi>, %select_n3A, %reduce_min3A [0] : vector<1024x80xi32> to vector<80xi32>
        %broadcast_in_dim3A_145 = vector.shape_cast %reduce_min3A_144 : vector<80xi32> to vector<1x80xi32>
        %swap3A_146 = arith.constant 0 : index
        %swap3A_147 = arith.index_cast %scan3A_131 : i32 to index
        %swap3A_148 = arith.constant 0 : index
        %swap3A_149 = vector.load %arg3[%swap3A_146, %swap3A_147, %swap3A_148] : memref<1x128x80xi32, #tpu.memory_space<vmem>>, vector<1x1x80xi32>
        %swap3A_150 = vector.shape_cast %swap3A_149 : vector<1x1x80xi32> to vector<1x80xi32>
        %swap3A_151 = vector.shape_cast %broadcast_in_dim3A_140 : vector<1x80xi32> to vector<1x1x80xi32>
        tpu.vector_store %arg3[%swap3A_146, %swap3A_147, %swap3A_148], %swap3A_151 {strides = array<i32>} : memref<1x128x80xi32, #tpu.memory_space<vmem>>, vector<1x1x80xi32>,
        %swap3A_152 = arith.constant 0 : index
        %swap3A_153 = arith.index_cast %scan3A_131 : i32 to index
        %swap3A_154 = arith.constant 0 : index
        %swap3A_155 = vector.load %arg4[%swap3A_152, %swap3A_153, %swap3A_154] : memref<1x128x80xi32, #tpu.memory_space<vmem>>, vector<1x1x80xi32>
        %swap3A_156 = vector.shape_cast %swap3A_155 : vector<1x1x80xi32> to vector<1x80xi32>
        %swap3A_157 = vector.shape_cast %broadcast_in_dim3A_145 : vector<1x80xi32> to vector<1x1x80xi32>
        tpu.vector_store %arg4[%swap3A_152, %swap3A_153, %swap3A_154], %swap3A_157 {strides = array<i32>} : memref<1x128x80xi32, #tpu.memory_space<vmem>>, vector<1x1x80xi32>,
        %eq3A_158 = vector.broadcast %broadcast_in_dim3A_145 : vector<1x80xi32> to vector<1024x80xi32>
        %eq3A_159 = arith.cmpi eq, %get3A_138, %eq3A_158 : vector<1024x80xi32>
        %and3A = arith.andi %eq3A_142, %eq3A_159 : vector<1024x80xi1>
        %jit3A_160 = arith.constant -2147483648 : i32
        %broadcast_in_dim3A_161 = vector.broadcast %jit3A_160 : i32 to vector<1024x80xi32>
        %select_n3A_162 = arith.select %and3A, %broadcast_in_dim3A_161, %get3A_135 : vector<1024x80xi1>, vector<1024x80xi32>
        %swap3A_163 = arith.constant 0 : index
        %swap3A_164 = arith.constant 0 : index
        %swap3A_165 = vector.load %arg6[%swap3A_163, %swap3A_164] : memref<1024x80xi32, #tpu.memory_space<vmem>>, vector<1024x80xi32>
        tpu.vector_store %arg6[%swap3A_163, %swap3A_164], %select_n3A_162 {strides = array<i32>} : memref<1024x80xi32, #tpu.memory_space<vmem>>, vector<1024x80xi32>,
        scf.yield %broadcast_in_dim3A_140 : vector<1x80xi32>
      }
      %scan3A_118 = arith.constant 100 : i32
      %get3A_119 = arith.constant 0 : index
      %get3A_120 = arith.constant 0 : index
      %get3A_121 = vector.load %arg8[%get3A_119, %get3A_120] : memref<8x80xi32, #tpu.memory_space<vmem>>, vector<1x80xi32>
      %lt3A = arith.cmpi slt, %get3A_121, %scan3A_117 : vector<1x80xi32>
      %convert_element_type3A_122 = arith.extui %lt3A : vector<1x80xi1> to vector<1x80xi32>
      %broadcast_in_dim3A_123 = vector.shape_cast %convert_element_type3A_122 : vector<1x80xi32> to vector<1x80xi32>
      %broadcast_in_dim3A_124 = vector.broadcast %broadcast_in_dim3A_123 : vector<1x80xi32> to vector<8x80xi32>
      %swap3A_125 = arith.constant 0 : index
      %swap3A_126 = arith.constant 0 : index
      %swap3A_127 = arith.constant 0 : index
      %swap3A_128 = vector.load %arg5[%swap3A_125, %swap3A_126, %swap3A_127] : memref<1x8x80xi32, #tpu.memory_space<vmem>>, vector<1x8x80xi32>
      %swap3A_129 = vector.shape_cast %swap3A_128 : vector<1x8x80xi32> to vector<8x80xi32>
      %swap3A_130 = vector.shape_cast %broadcast_in_dim3A_124 : vector<8x80xi32> to vector<1x8x80xi32>
      tpu.vector_store %arg5[%swap3A_125, %swap3A_126, %swap3A_127], %swap3A_130 {strides = array<i32>} : memref<1x8x80xi32, #tpu.memory_space<vmem>>, vector<1x8x80xi32>,
    } else {
    }
    return
  }
  func.func @transform_0(%arg0: i32, %arg1: i32) -> (i32, i32, i32) {
    %c0_i32 = arith.constant 0 : i32
    %c0_i32_0 = arith.constant 0 : i32
    return %arg0, %arg1, %c0_i32 : i32, i32, i32
  }
  func.func @transform_1(%arg0: i32, %arg1: i32) -> (i32, i32, i32) {
    %c0_i32 = arith.constant 0 : i32
    %c0_i32_0 = arith.constant 0 : i32
    %c0_i32_1 = arith.constant 0 : i32
    return %arg0, %c0_i32, %c0_i32_0 : i32, i32, i32
  }
  func.func @transform_2(%arg0: i32, %arg1: i32) -> (i32, i32, i32) {
    %c0_i32 = arith.constant 0 : i32
    %c0_i32_0 = arith.constant 0 : i32
    %c0_i32_1 = arith.constant 0 : i32
    return %arg0, %c0_i32, %c0_i32_0 : i32, i32, i32
  }
  func.func @transform_3(%arg0: i32, %arg1: i32) -> (i32, i32, i32) {
    %c0_i32 = arith.constant 0 : i32
    %c0_i32_0 = arith.constant 0 : i32
    %c0_i32_1 = arith.constant 0 : i32
    return %arg0, %c0_i32, %c0_i32_0 : i32, i32, i32
  }
}

</mosaic_0001>

<sc_bundles>
// kernel: gather_offload_async_start.1
scs
__scs_entry_jumppad:
0x0: {  	(pc) =	sbr.rel $0x88, $3  }
0x1: {  	(tag) =	ssettag $0x0;
	lr =	simm.s32 $0x1  }
0x2: {  	[smem:$0x3F9F] =	sst lr;
	_ =	strace $0xD0000000  }
0x3: {  	_ = 	snop  }
0x4: {  	_ = 	snop  }
0x5: {  	_ = 	snop  }
0x6: {  	_ = 	snop  }
0x7: {  	_ = 	snop  }
__scs_overlays_trampoline_lowered:
0x8: {  	[smem:$0x3FAE] =	sst s0  }
0x9: {  	[smem:$0x3FAF] =	sst s1  }
0xa: {  	[smem:$0x3FB0] =	sst s2  }
0xb: {  	[smem:$0x3FB1] =	sst s3  }
0xc: {  	[smem:$0x3FB2] =	sst s4  }
0xd: {  	[smem:$0x3FB3] =	sst s5  }
0xe: {  	[smem:$0x3FB4] =	sst s6  }
0xf: {  	[smem:$0x3FB5] =	sst s7  }
0x10: {  	[smem:$0x3FB6] =	sst s8  }
0x11: {  	[smem:$0x3FB7] =	sst s9;
	s0 =	simm.s32 @!p0 $0x0  }
0x12: {  	s1 =	sld [smem:$0x3F9D];
	s0 =	simm.s32 @p0 $0x1  }
0x13: {  	[smem:$0x3FB8] =	sst s0;
	s0 =	simm.s32 @!p1 $0x0  }
0x14: {  	s2 =	sld [smem:$0x3F9C];
	s0 =	simm.s32 @p1 $0x1  }
0x15: {  	[smem:$0x3FB9] =	sst s0;
	s0 =	simm.s32 @!p2 $0x0  }
0x16: {  	s3 =	sld [smem:$0x3FDB];
	s0 =	simm.s32 @p2 $0x1  }
0x17: {  	s4 =	simm.s32 $0x1BF5;
	[smem:$0x3FBB] =	sst s0  }
0x18: {  	s0 =	sld [smem:$0x3F9E];
	_ =	swait.ge [sflag:s4], $0x0  }
0x19: {  	s7 =	sld [smem:$0x3F9F]  }
0x1a: {  	s8 =	sadd.s32 $0xFFFFE003, lr  }
0x1b: {  	s9 =	sadd.s32 $0xFFFFFEF7, lr;
	s5 =	simm.s32 $0xFFFFFFFF;
	p2 =	slt.u32 s8, $0xFFFFF086  }
0x1c: {  	p1 =	slt.u32 s9, $0xF7A;
	s5 =	simm.s32 @!p2 $0x0  }
0x1d: {  	s5 =	simm.s32 @p1 $0x1;
	p0 =	seq.s32 s7, s2  }
0x1e: {  	s7 =	smul.u32 @!p0 $0xF7A, s2;
	p2 =	seq.s32 @!p0 s5, $0x0  }
0x1f: {  	s9 =	smul.u32 $0xF7A, s1;
	s8 =	simm.s32 @!p0 $0x1BF5;
	p2 =	por !p2, p0  }
0x20: {  	[sflag:s8] =	ssyncset.s32 @!p0 $0xFFFFF086;
	s6 =	sadd.s32 @!p0 s3, s7;
	s7 =	simm.s32 @!p0 $0x108  }
0x21: {  	s3 =	sadd.s32 s3, s9;
	s6 =	sadd.s32 @!p0 $0x88, s6;
	s7 =	simm.s32 @p2 $0x1082  }
0x22: {  	[simem:s7], [sflag:s8] =	dma.local @!p0 [hbm:s6], $0xF7A  }
0x23: {  	s9 =	sor.u32 $0xD0000000, s2;
	s6 =	simm.s32 $0x108;
	_ =	swait.ge @!p0 [sflag:s8], $0x0  }
0x24: {  	s3 =	sadd.s32 $0x88, s3;
	s6 =	simm.s32 @!p1 $0x1082;
	[sflag:s4] =	ssyncset.s32 $0xFFFFF086  }
0x25: {  	[simem:s6], [sflag:s4] =	dma.local [hbm:s3], $0xF7A  }
0x26: {  	[smem:$0x3F9F] =	sst s1;
	(tag) =	ssettag s2;
	_ =	strace s9  }
0x27: {  	s1 =	sld [smem:$0x3FAF]  }
0x28: {  	s2 =	sld [smem:$0x3FB0]  }
0x29: {  	s4 =	sld [smem:$0x3FB2]  }
0x2a: {  	p0 =	seq.s32 s5, $0x0;
	s5 =	sld [smem:$0x3FB3]  }
0x2b: {  	s6 =	sld [smem:$0x3FB4]  }
0x2c: {  	s7 =	sld [smem:$0x3FB5]  }
0x2d: {  	s3 =	simm.s32 $0x108;
	s8 =	sld [smem:$0x3FB6]  }
0x2e: {  	s3 =	simm.s32 @!p0 $0x1082;
	s9 =	sld [smem:$0x3FB7]  }
0x2f: {  	lr =	sadd.s32 s0, s3;
	s0 =	sld [smem:$0x3FAE]  }
0x30: {  	s3 =	sld [smem:$0x3FB1]  }
0x31: {  	[smem:$0x3FBA] =	sst s10  }
0x32: {  	s10 =	sld [smem:$0x3FB8];
	_ =	sdelay $0x3  }
0x33: {  	p0 =	seq.s32 s10, $0x1;
	s10 =	sld [smem:$0x3FBA];
	_ =	sdelay $0x3  }
0x34: {  	[smem:$0x3FBA] =	sst s10  }
0x35: {  	s10 =	sld [smem:$0x3FB9];
	_ =	sdelay $0x3  }
0x36: {  	p1 =	seq.s32 s10, $0x1;
	s10 =	sld [smem:$0x3FBA];
	_ =	sdelay $0x3  }
0x37: {  	[smem:$0x3FBA] =	sst s10  }
0x38: {  	s10 =	sld [smem:$0x3FBB]  }
0x39: {  	_ = 	snop;
	(pc) =	sbr.ind lr, $3  }
0x3a: {  	_ = 	snop  }
0x3b: {  	_ = 	snop  }
0x3c: {  	p2 =	seq.s32 s10, $0x1;
	s10 =	sld [smem:$0x3FBA]  }
0x3d: {  	_ =	shalt  }
0x3e: {  	_ =	shalt  }
0x3f: {  	_ =	shalt  }
0x40: {  	_ =	shalt  }
0x41: {  	_ =	shalt  }
0x42: {  	_ =	shalt  }
0x43: {  	_ =	shalt  }
0x44: {  	_ =	shalt  }
0x45: {  	_ =	shalt  }
0x46: {  	_ =	shalt  }
0x47: {  	_ =	shalt  }
0x48: {  	_ =	shalt  }
0x49: {  	_ =	shalt  }
0x4a: {  	_ =	shalt  }
0x4b: {  	_ =	shalt  }
0x4c: {  	_ =	shalt  }
0x4d: {  	_ =	shalt  }
0x4e: {  	_ =	shalt  }
0x4f: {  	_ =	shalt  }
0x50: {  	_ =	shalt  }
0x51: {  	_ =	shalt  }
0x52: {  	_ =	shalt  }
0x53: {  	_ =	shalt  }
0x54: {  	_ =	shalt  }
0x55: {  	_ =	shalt  }
0x56: {  	_ =	shalt  }
0x57: {  	_ =	shalt  }
0x58: {  	_ =	shalt  }
0x59: {  	_ =	shalt  }
0x5a: {  	_ =	shalt  }
0x5b: {  	_ =	shalt  }
0x5c: {  	_ =	shalt  }
0x5d: {  	_ =	shalt  }
0x5e: {  	_ =	shalt  }
0x5f: {  	_ =	shalt  }
0x60: {  	_ =	shalt  }
0x61: {  	_ =	shalt  }
0x62: {  	_ =	shalt  }
0x63: {  	_ =	shalt  }
0x64: {  	_ =	shalt  }
0x65: {  	_ =	shalt  }
0x66: {  	_ =	shalt  }
0x67: {  	_ =	shalt  }
0x68: {  	_ =	shalt  }
0x69: {  	_ =	shalt  }
0x6a: {  	_ =	shalt  }
0x6b: {  	_ =	shalt  }
0x6c: {  	_ =	shalt  }
0x6d: {  	_ =	shalt  }
0x6e: {  	_ =	shalt  }
0x6f: {  	_ =	shalt  }
0x70: {  	_ =	shalt  }
0x71: {  	_ =	shalt  }
0x72: {  	_ =	shalt  }
0x73: {  	_ =	shalt  }
0x74: {  	_ =	shalt  }
0x75: {  	_ =	shalt  }
0x76: {  	_ =	shalt  }
0x77: {  	_ =	shalt  }
0x78: {  	_ =	shalt  }
0x79: {  	_ =	shalt  }
0x7a: {  	_ =	shalt  }
0x7b: {  	_ =	shalt  }
0x7c: {  	_ =	shalt  }
0x7d: {  	_ =	shalt  }
0x7e: {  	_ =	shalt  }
0x7f: {  	_ =	shalt  }
0x80: {  	_ =	shalt  }
0x81: {  	_ =	shalt  }
0x82: {  	_ =	shalt  }
0x83: {  	_ =	shalt  }
0x84: {  	_ =	shalt  }
0x85: {  	_ =	shalt  }
0x86: {  	_ =	shalt  }
0x87: {  	_ =	shalt  }
.Lfunc_end0:
.L_simem_size_0:
called_computation.1_lowered:
.L_overlay_start_0:
0x88: {  	s2 =	sld [smem:$0x3FD9]  }
0x89: {  	s3 =	sld [smem:$0x3FFE];
	_ =	sdelay $0x1  }
0x8a: {  	s1 =	srdreg.scid  }
0x8b: {  	s0 =	sand.u32 $0x1, s1  }
0x8c: {  	s17 =	sshll.u32 s0, $0xA;
	s2 =	sadd.s32 s3, s2  }
0x8d: {  	s2 =	sadd.s32 s2, s17  }
0x8e: {  	[smem:$0x3FC6] =	sst s2  }
0x8f: {  	_ = 	snop  }
0x90: {  	(tm) =	ssettm $0x1  }
0x91: {  	s18 =	sld [smem:$0x3FFB];
	_ =	sdelay $0x3  }
0x92: {  	_ =	strace s18  }
0x93: {  	s2 =	sld [smem:$0x3FFC];
	_ =	sdelay $0x3  }
0x94: {  	_ =	strace s2  }
0x95: {  	s2 =	sld [smem:$0x3FFD];
	_ =	sdelay $0x3  }
0x96: {  	_ =	strace s2  }
0x97: {  	_ =	strace $0x8FFFFFFF  }
0x98: {  	s19 =	sld [smem:$0x3FDB];
	_ =	sdelay $0x1  }
0x99: {  	s20 =	simm.s32 $_scs_section_size  }
0x9a: {  	s4 =	simm.s32 $_size__tile_overlayer_lowered;
	s5 =	simm.s32 $_tile_overlayer_lowered  }
0x9b: {  	s6 =	simm.s32 $0x1BFF;
	s21 =	sshll.u32 s5, $0x1;
	s3 =	sadd.s32 s20, s19  }
0x9c: {  	s22 =	simm.s32 $0x0;
	s4 =	sshll.u32 s4, $0x1;
	s5 =	sadd.s32 s21, s3  }
0x9d: {  	[timem:s22], [sflag:s6] =	dma.local [hbm:s5], s4  }
0x9e: {  	_ =	swait.ge [sflag:s6], s4  }
0x9f: {  	s4 =	ssub.s32 $0x0, s4;
	[sflag:s6] =	ssyncset.done $0x0  }
0xa0: {  	[sflag:s6] =	ssyncadd.s32 s4;
	_ =	sdelay $0x1  }
0xa1: {  	s23 =	simm.s32 $0x1B8B  }
0xa2: {  	_ =	swait.ge [sflag:s23], $0x1  }
0xa3: {  	[sflag:s23] =	ssyncset.done $0x0  }
0xa4: {  	[sflag:s23] =	ssyncadd.s32 $0xFFFFFFFF  }
0xa5: {  	s4 =	sld [smem:$0x0]  }
0xa6: {  	s5 =	sand.u32 $0xFFFFFFFE, s1  }
0xa7: {  	p0 =	sne.s32 s1, s5  }
0xa8: {  	s5 =	sshll.u32 @p0 s5, $0xE  }
0xa9: {  	s5 =	sadd.s32 @p0 $0x11B8D, s5;
	s6 =	sshll.u32 @p0 s4, $0x11  }
0xaa: {  	s5 =	sor.u32 @p0 s6, s5  }
0xab: {  	[sflag:s5] =	ssyncadd.remote.s32 @p0 $0x1;
	_ =	sdelay $0x1  }
0xac: {  	s5 =	simm.s32 @p0 $0x1B8D  }
0xad: {  	_ =	swait.eq @p0 [sflag:s5], $0x1  }
0xae: {  	[sflag:s5] =	ssyncadd.s32 @p0 $0xFFFFFFFF  }
0xaf: {  	s6 =	sshll.u32 @!p0 s1, $0xE  }
0xb0: {  	s6 =	sor.u32 @!p0 $0x4000, s6;
	s5 =	simm.s32 @!p0 $0x1B8D  }
0xb1: {  	s4 =	sshll.u32 @!p0 s4, $0x11;
	s6 =	sadd.s32 @!p0 $0x11B8D, s6;
	_ =	swait.eq @!p0 [sflag:s5], $0x1  }
0xb2: {  	s4 =	sor.u32 @!p0 s4, s6;
	[sflag:s5] =	ssyncadd.s32 @!p0 $0xFFFFFFFF  }
0xb3: {  	s25 =	simm.s32 $0x1B8E;
	s24 =	sld [smem:$0x3FFE];
	[sflag:s4] =	ssyncadd.remote.s32 @!p0 $0x1  }
0xb4: {  	s26 =	simm.s32 $execute0_lowered;
	[smem:$0x3FD2] =	sst s25  }
0xb5: {  	s5 =	sshll.u32 s26, $0x1;
	_ =	strace $0x8000004C;
	[dreg:$0x1] =	wrdreg $0xFFFFFFFF  }
0xb6: {  	s28 =	simm.s32 $_size_execute0_lowered;
	s3 =	sadd.s32 s3, s5;
	[dreg:$0x0] =	wrdreg $0x0  }
0xb7: {  	s5 =	sshll.u32 s28, $0x1;
	[dreg:$0x2] =	wrdreg s3  }
0xb8: {  	[dreg:$0x3] =	wrdreg s5  }
0xb9: {  	[dreg:$0x4] =	wrdreg $0xC0  }
0xba: {  	_ =	task [dreg:s22], $0x5FFFF  }
0xbb: {  	[dreg:$0x1] =	wrdreg $0xFFFFFFFF  }
0xbc: {  	[dreg:$0x0] =	wrdreg $0x60  }
0xbd: {  	[dreg:$0x2] =	wrdreg s24  }
0xbe: {  	[dreg:$0x3] =	wrdreg $0xA  }
0xbf: {  	_ =	task.clear_ibuf [dreg:s22], $0x4FFFF;
	_ =	strace $0x9000004C  }
0xc0: {  	s29 =	simm.s32 $0xA;
	_ =	strace $0x8000004E  }
0xc1: {  	_ =	swait.ge [sflag:s29], $0x1  }
0xc2: {  	[sflag:s29] =	ssyncadd.s32 $0xFFFFFFFF  }
0xc3: {  	_ =	strace $0x9000004E  }
0xc4: {  	_ =	sfence  }
0xc5: {  	s30 =	sld [smem:$0x0];
	_ =	sdelay $0x2  }
0xc6: {  	s31 =	sshll.u32 s1, $0xD;
	s1 =	sshrl.u32 s1, $0x2  }
0xc7: {  	s4 =	sand.u32 $0x4000, s31;
	s1 =	sadd.s32 s1, s30  }
0xc8: {  	s0 =	sor.u32 s4, s0;
	s1 =	sshll.u32 s1, $0x11  }
0xc9: {  	s0 =	sor.u32 s1, s0  }
0xca: {  	s0 =	sadd.s32 $0x8F2B, s0  }
0xcb: {  	[sflag:s0] =	ssyncadd.remote.s32 $0x1  }
0xcc: {  	_ =	sfence.sel $0xFFFF  }
0xcd: {  	[dreg:$0x0] =	wrdreg $0xFFFFFFFF;
	(pc) =	sbr.abs _section_cstart, $3  }
0xce: {  	[dreg:$0x1] =	wrdreg $0xFFFFFFFF  }
0xcf: {  	_ =	task.clear_ibuf [dreg:s22], $0x2FFFF;
	_ =	strace $0x9FFFFFFF  }
0xd0: {  	(tm) =	ssettm $0x7FFFFFFF  }
0xd1: {  	_ =	shalt  }
tec
execute0_lowered:
.L_overlay_start_1:
0x0: {  	(tag) =	ssettag $0x1  }
0x1: {  	s2 =	rddreg [dreg:$0x0]  }
0x2: {  	s1 =	stileid.u32;
	s3 =	srdreg.scid  }
0x3: {  	s0 =	rddreg [dreg:$0x1];
	_ =	strace $0x8000004D;
	s5 =	simm.s32 $0x1  }
0x4: {  	s8 =	simm.s32 $0x1;
	s3 =	sand.u32 $0x1, s3;
	s4 =	sshll.u32 s1, $0x1  }
0x5: {  	s9 =	simm.s32 $0x3;
	s10 =	simm.s32 $0x0;
	s6 =	sor.u32 s4, s3  }
0x6: {  	s13 =	simm.s32 $0x0;
	s12 =	simm.s32 $0x0;
	s4 =	smul.u32 $0x500, s6  }
0x7: {  	[sflag:s5] =	ssyncpa.u1 $0x0;
	p0 =	slt.u32 s6, $0x13;
	s6 =	simm.s32 $0xA000  }
.Ltmp0:
0x8: {  	s6 =	simm.s32 @!p0 $0x0;
	s7 =	ssub.s32 $0xFA00, s4;
	(pc) =	sbr.rel .LBB2_1-.Ltmp0, $4  }
0x9: {  	s8 =	simm.s32 @!p0 $0x0;
	p0 =	sne.s32 s7, s6;
	s7 =	simm.s32 $0x1  }
0xa: {  	s3 =	sadd.s32 $0x606800, s2;
	s6 =	simm.s32 $0x2;
	s7 =	simm.s32 @!p0 $0x0  }
0xb: {  	s11 =	smov.u32 s4;
	[sflag:s6] =	ssyncpa.u1 $0x0;
	s7 =	sadd.s32 s8, s7  }
0xc: {  	vm0 =	vmmov $0xffff;
	v0 =	vlaneseq.u32;
	s8 =	sadd.s32 $0x1BFE00, s2;
	[sflag:s9] =	ssyncpa.u1 $0x0;
	s9 =	sadd.s32 $0x1, s7  }
.LBB2_4:
0xd: {  	_ =	sdelay $0x3  }
0xe: {  	[tilespmem:s22], [sflag:$0x1] =	stream.indirect_vreg.gather [hbm4b:s3+s10], $0x1, v1, vm0, $0x4038;
	[tilespmem:$0x3200] =	vst v63  }
0xf: {  	s15 =	sadd.s32 s19, s15  }
0x10: {  	v1 =	vld.msk [tilespmem:s15+$0x0 ss:$0x1], $0xffff;
	_ =	sdelay $0x4  }
0x11: {  	v2 =	vshrl.u32 v1, $0x3  }
0x12: {  	v3 =	vand.u32 $0x7, v1;
	vm1 =	veq.s32 v1, $0x80000000;
	v1 =	vand.u32 $0xFFFF, v2  }
0x13: {  	p0 =	sgt.s32 s18, $0x0;
	v2 =	vmul.u32 $0x30000, v3;
	v1 =	vsel vm1, $0xFFFFFFFF, v1  }
0x14: {  	s18 =	simm.s32 @!p0 $0x0;
	v3 =	vshll.u32 v1, $0x2  }
0x15: {  	s25 =	smin.u32 s18, $0x10;
	v2 =	vsel vm1, $0xFFFD0000, v2;
	v3 =	vand.u32 $0xFFFFFE00, v3  }
0x16: {  	v1 =	vand.u32 $0x7F, v1;
	v2 =	vadd.s32 v2, v3;
	v3 =	vmov s25  }
0x17: {  	v1 =	vor.u32 v1, v2;
	vm1 =	vgt.u32 v3, v0  }
0x18: {  	v2 =	vnsel vm1, $0x7FFFFFFF, v1;
	_ =	sdelay $0x1  }
0x19: {  	s26 =	sand.u32 $0x1E00, s16;
	v3 =	vor.u32 $0x80, v1  }
0x1a: {  	s28 =	sand.u32 $0x70, s17;
	(ifvalue) =	ssetifvalue $0x7FFFFFFF;
	s15 =	sadd.s32 s26, s14;
	v3 =	vnsel vm1, $0x7FFFFFFF, v3  }
0x1b: {  	s15 =	sadd.s32 s28, s15;
	(ifvalue) =	ssetifvalue $0x7FFFFFFF  }
0x1c: {  	v4 =	vor.u32 $0x100, v1;
	[tilespmem:s15], [sflag:$0x1] =	stream.indirect_vreg.gather [hbm4b:s3+s10], $0x1, v2, vm0, $0x4038;
	[tilespmem:$0x3200] =	vst v63  }
0x1d: {  	(ifvalue) =	ssetifvalue $0x7FFFFFFF;
	v2 =	vnsel vm1, $0x7FFFFFFF, v4  }
0x1e: {  	s16 =	sadd.s32 $0x80, s15;
	(ifvalue) =	ssetifvalue $0x7FFFFFFF  }
0x1f: {  	v1 =	vor.u32 $0x180, v1;
	[tilespmem:s16], [sflag:$0x1] =	stream.indirect_vreg.gather [hbm4b:s3+s10], $0x1, v3, vm0, $0x4038;
	[tilespmem:$0x3200] =	vst v63  }
0x20: {  	v1 =	vnsel vm1, $0x7FFFFFFF, v1;
	(ifvalue) =	ssetifvalue $0x7FFFFFFF  }
0x21: {  	s29 =	sadd.s32 $0x100, s15;
	(ifvalue) =	ssetifvalue $0x7FFFFFFF  }
0x22: {  	[tilespmem:s29], [sflag:$0x1] =	stream.indirect_vreg.gather [hbm4b:s3+s10], $0x1, v2, vm0, $0x4038;
	[tilespmem:$0x3200] =	vst v63  }
0x23: {  	(ifvalue) =	ssetifvalue $0x7FFFFFFF  }
0x24: {  	s30 =	sshll.u32 s13, $0x2;
	s15 =	sadd.s32 $0x180, s15;
	(ifvalue) =	ssetifvalue $0x7FFFFFFF  }
0x25: {  	[tilespmem:s15], [sflag:$0x1] =	stream.indirect_vreg.gather [hbm4b:s3+s10], $0x1, v1, vm0, $0x4038;
	[tilespmem:$0x3200] =	vst v63  }
0x26: {  	s31 =	sand.u32 $0x78, s13;
	s15 =	sand.u32 $0xFFFFFE00, s30  }
0x27: {  	_ =	swait.ge [sflag:s5], $0x1400;
	s13 =	sor.u32 s31, s15  }
0x28: {  	[sflag:s5] =	ssyncset.done $0x0;
	s13 =	sshrl.u32 s13, $0x3  }
0x29: {  	[sflag:s5] =	ssyncadd.s32 $0xFFFFEC00;
	s13 =	sadd.s32 s8, s13  }
0x2a: {  	[hbm:s13] =	stream.linear.scatter [tilespmem:s14], [sflag:$0x3], $0x1400, $0x38;
	[tilespmem:$0x3200] =	vst v63  }
.LBB2_5:
0x2b: {  	s15 =	sadd.s32 $0xA000, s11  }
0x2c: {  	p1 =	sgt.s32 s15, $0xF9FF  }
0x2d: {  	s15 =	smov.u32 @p1 s4;
	p1 =	sne.s32 s12, s9  }
.Ltmp1:
0x2e: {  	p0 =	slt.u32 s12, $0x2;
	(pc) =	sbr.rel @!p1 .LBB2_6-.Ltmp1, $4  }
0x2f: {  	s14 =	simm.s32 @!p0 $0x3  }
0x30: {  	_ =	swait.ge @!p0 [sflag:s14], $0x1400  }
0x31: {  	s16 =	sadd.s32 $0x1, s12;
	s13 =	smov.u32 s11;
	[sflag:s14] =	ssyncset.done @!p0 $0x0  }
0x32: {  	s12 =	smov.u32 s16;
	s11 =	smov.u32 s15;
	[sflag:s14] =	ssyncadd.s32 @!p0 $0xFFFFEC00  }
.LBB2_1:
0x33: {  	p0 =	sge.u32 s12, s7  }
0x34: {  	s14 =	sxor.u32 @!p0 $0x1, s12  }
0x35: {  	s14 =	smul.u32 @!p0 $0x1400, s14  }
0x36: {  	s31 =	sadd.s32 $0xFFFFFFFF, s12;
	s15 =	sshrl.u32 @!p0 s11, $0x3  }
0x37: {  	s16 =	sand.u32 @!p0 $0x7, s11;
	s15 =	sadd.s32 @!p0 s2, s15;
	s14 =	sshra.s32 @!p0 s14, $0x2  }
0x38: {  	[tilespmem:s14], [sflag:$0x2] =	stream.linear.gather @!p0 [hbm4b:s15+s16], $0x500, $0x38;
	[tilespmem:$0x3200] =	vst v63  }
0x39: {  	p0 =	sge.u32 s31, s7  }
.Ltmp2:
0x3a: {  	_ = 	snop;
	(pc) =	sbr.rel @p0 .LBB2_5-.Ltmp2, $1  }
0x3b: {  	_ =	sdelay $0x3  }
0x3c: {  	s14 =	sand.u32 $0x1, s12  }
0x3d: {  	p0 =	seq.s32 s14, $0x1;
	s14 =	simm.s32 $0x1400  }
0x3e: {  	_ =	swait.ge [sflag:s6], $0x500;
	s14 =	simm.s32 @!p0 $0x0  }
0x3f: {  	[sflag:s6] =	ssyncset.done $0x0;
	s15 =	sshrl.u32 s14, $0x2  }
0x40: {  	[sflag:s6] =	ssyncadd.s32 $0xFFFFFB00;
	s16 =	sadd.s32 $0x0, s15  }
0x41: {  	v1 =	vld.msk [tilespmem:s16+$0x0 ss:$0x1], $0xffff;
	_ =	sdelay $0x3  }
0x42: {  	s17 =	ssub.s32 $0xFA00, s13  }
0x43: {  	p0 =	slt.s32 s17, $0x500;
	v2 =	vshrl.u32 v1, $0x3  }
0x44: {  	s17 =	simm.s32 @!p0 $0x500;
	v3 =	vand.u32 $0x7, v1;
	vm1 =	veq.s32 v1, $0x80000000;
	v1 =	vand.u32 $0xFFFF, v2  }
0x45: {  	p0 =	sgt.s32 s17, $0x0;
	s16 =	smov.u32 s17;
	v2 =	vmul.u32 $0x30000, v3;
	v1 =	vsel vm1, $0xFFFFFFFF, v1  }
0x46: {  	s16 =	simm.s32 @!p0 $0x0;
	v3 =	vshll.u32 v1, $0x2  }
0x47: {  	s16 =	smin.u32 s16, $0x10;
	v2 =	vsel vm1, $0xFFFD0000, v2;
	v3 =	vand.u32 $0xFFFFFE00, v3  }
0x48: {  	v1 =	vand.u32 $0x7F, v1;
	v2 =	vadd.s32 v2, v3;
	v3 =	vmov s16  }
0x49: {  	v1 =	vor.u32 v1, v2;
	vm1 =	vgt.u32 v3, v0  }
0x4a: {  	v2 =	vnsel vm1, $0x7FFFFFFF, v1  }
0x4b: {  	s31 =	simm.s32 $0x0  }
0x4c: {  	s18 =	sand.u32 $0x1E00, s31;
	s14 =	sor.u32 $0xA00, s14;
	v3 =	vor.u32 $0x80, v1  }
0x4d: {  	s18 =	sadd.s32 s18, s14;
	(ifvalue) =	ssetifvalue $0x7FFFFFFF;
	s16 =	sand.u32 $0x70, s31;
	v3 =	vnsel vm1, $0x7FFFFFFF, v3  }
0x4e: {  	(ifvalue) =	ssetifvalue $0x7FFFFFFF;
	s20 =	sadd.s32 s16, s18  }
0x4f: {  	v4 =	vor.u32 $0x100, v1;
	[tilespmem:s20], [sflag:$0x1] =	stream.indirect_vreg.gather [hbm4b:s3+s10], $0x1, v2, vm0, $0x4038;
	[tilespmem:$0x3200] =	vst v63  }
0x50: {  	(ifvalue) =	ssetifvalue $0x7FFFFFFF;
	v2 =	vnsel vm1, $0x7FFFFFFF, v4  }
0x51: {  	s16 =	sadd.s32 $0x80, s20;
	(ifvalue) =	ssetifvalue $0x7FFFFFFF  }
0x52: {  	v1 =	vor.u32 $0x180, v1;
	[tilespmem:s16], [sflag:$0x1] =	stream.indirect_vreg.gather [hbm4b:s3+s10], $0x1, v3, vm0, $0x4038;
	[tilespmem:$0x3200] =	vst v63  }
0x53: {  	s19 =	simm.s32 $0x10;
	v1 =	vnsel vm1, $0x7FFFFFFF, v1;
	(ifvalue) =	ssetifvalue $0x7FFFFFFF  }
0x54: {  	s21 =	simm.s32 $0x80;
	s18 =	sadd.s32 $0x100, s20;
	(ifvalue) =	ssetifvalue $0x7FFFFFFF  }
0x55: {  	[tilespmem:s18], [sflag:$0x1] =	stream.indirect_vreg.gather [hbm4b:s3+s10], $0x1, v2, vm0, $0x4038;
	[tilespmem:$0x3200] =	vst v63  }
0x56: {  	s22 =	sadd.s32 $0x180, s20;
	s16 =	simm.s32 $0x40;
	(ifvalue) =	ssetifvalue $0x7FFFFFFF  }
0x57: {  	s18 =	sadd.s32 $0xFFFFFFF0, s17;
	s17 =	simm.s32 $0x10;
	(ifvalue) =	ssetifvalue $0x7FFFFFFF  }
.LBB2_3:
0x58: {  	[tilespmem:s22], [sflag:$0x1] =	stream.indirect_vreg.gather [hbm4b:s3+s10], $0x1, v1, vm0, $0x4038;
	[tilespmem:$0x3200] =	vst v63  }
0x59: {  	s22 =	smov.u32 s21  }
0x5a: {  	s20 =	sadd.s32 $0x40, s21;
	s23 =	sadd.s32 s19, s15;
	s19 =	sshra.s32 s22, $0x2  }
0x5b: {  	p0 =	sne.s32 s21, $0x13C0;
	v1 =	vld.msk [tilespmem:s23+$0x0 ss:$0x1], $0xffff  }
0x5c: {  	(ifvalue) =	ssetifvalue $0x7FFFFFFF;
	_ =	sdelay $0x4  }
0x5d: {  	v2 =	vand.u32 $0x7, v1;
	v3 =	vshrl.u32 v1, $0x3  }
0x5e: {  	vm1 =	veq.s32 v1, $0x80000000;
	v1 =	vand.u32 $0xFFFF, v3;
	v2 =	vmul.u32 $0x30000, v2  }
0x5f: {  	p1 =	sgt.s32 s18, $0x0;
	s21 =	smov.u32 s18;
	v1 =	vsel vm1, $0xFFFFFFFF, v1  }
0x60: {  	s21 =	simm.s32 @!p1 $0x0;
	v2 =	vsel vm1, $0xFFFD0000, v2;
	v3 =	vshll.u32 v1, $0x2  }
0x61: {  	s21 =	smin.u32 s21, $0x10;
	v3 =	vand.u32 $0xFFFFFE00, v3  }
0x62: {  	v1 =	vand.u32 $0x7F, v1;
	v2 =	vadd.s32 v2, v3;
	v3 =	vmov s21  }
0x63: {  	v1 =	vor.u32 v1, v2;
	vm1 =	vgt.u32 v3, v0  }
0x64: {  	v2 =	vnsel vm1, $0x7FFFFFFF, v1;
	v3 =	vor.u32 $0x80, v1;
	v4 =	vor.u32 $0x100, v1  }
0x65: {  	v1 =	vor.u32 $0x180, v1  }
0x66: {  	s21 =	sand.u32 $0x1E00, s16;
	s16 =	smov.u32 s22  }
0x67: {  	s22 =	sand.u32 $0x70, s17;
	s21 =	sadd.s32 s21, s14;
	v3 =	vnsel vm1, $0x7FFFFFFF, v3  }
0x68: {  	s21 =	sadd.s32 s22, s21;
	(ifvalue) =	ssetifvalue $0x7FFFFFFF  }
0x69: {  	[tilespmem:s21], [sflag:$0x1] =	stream.indirect_vreg.gather [hbm4b:s3+s10], $0x1, v2, vm0, $0x4038;
	[tilespmem:$0x3200] =	vst v63  }
0x6a: {  	v2 =	vnsel vm1, $0x7FFFFFFF, v4;
	(ifvalue) =	ssetifvalue $0x7FFFFFFF  }
0x6b: {  	s22 =	sadd.s32 $0x80, s21;
	(ifvalue) =	ssetifvalue $0x7FFFFFFF  }
0x6c: {  	[tilespmem:s22], [sflag:$0x1] =	stream.indirect_vreg.gather [hbm4b:s3+s10], $0x1, v3, vm0, $0x4038;
	[tilespmem:$0x3200] =	vst v63  }
.Ltmp3:
0x6d: {  	v1 =	vnsel vm1, $0x7FFFFFFF, v1;
	(ifvalue) =	ssetifvalue $0x7FFFFFFF;
	(pc) =	sbr.rel @p0 .LBB2_3-.Ltmp3, $4  }
0x6e: {  	s22 =	sadd.s32 $0x100, s21;
	(ifvalue) =	ssetifvalue $0x7FFFFFFF  }
0x6f: {  	[tilespmem:s22], [sflag:$0x1] =	stream.indirect_vreg.gather [hbm4b:s3+s10], $0x1, v2, vm0, $0x4038;
	[tilespmem:$0x3200] =	vst v63  }
0x70: {  	s18 =	sadd.s32 $0xFFFFFFF0, s18;
	s17 =	sadd.s32 $0x10, s17;
	(ifvalue) =	ssetifvalue $0x7FFFFFFF  }
0x71: {  	s22 =	sadd.s32 $0x180, s21;
	s21 =	smov.u32 s20;
	(ifvalue) =	ssetifvalue $0x7FFFFFFF  }
.Ltmp4:
0x72: {  	_ = 	snop;
	(pc) =	sbr.rel .LBB2_4-.Ltmp4, $1  }
0x73: {  	_ =	sdelay $0x3  }
.LBB2_6:
0x74: {  	_ =	sfence.sel $0x180000  }
0x75: {  	s2 =	simm.s32 $0x2;
	[bflag:$0x0] =	sbarrier.arrive $0xFFFF  }
0x76: {  	s30 =	simm.s32 $0x3;
	[sflag:s2] =	ssyncpa.u1 $0x1  }
0x77: {  	s31 =	simm.s32 $0x1;
	[sflag:s30] =	ssyncpa.u1 $0x1  }
0x78: {  	[sflag:s31] =	ssyncpa.u1 $0x1  }
0x79: {  	p0 =	sne.s32 s1, $0x0;
	_ =	strace $0x9000004D  }
0x7a: {  	s0 =	sadd.s32 @!p0 $0x100000, s0;
	[bflag:$0x2] =	sbarrier.arrive $0xFFFF  }
0x7b: {  	[sflag:s0] =	ssyncadd.tile.s32 @!p0 $0x1;
	_ =	shalt  }
.Lfunc_end2:
_tile_overlayer_lowered:
.L_overlay_start_2:
0x7c: {  	(tag) =	ssettag $0x2  }
0x7d: {  	s0 =	rddreg [dreg:$0x0];
	s2 =	stileid.u32  }
0x7e: {  	s1 =	rddreg [dreg:$0x1];
	p0 =	sne.s32 s2, $0x0  }
0x7f: {  	s3 =	rddreg [dreg:$0x2];
	[bflag:$0x3] =	sbarrier.arrive $0xFFFF;
	s2 =	simm.s32 @!p0 $0x1C01  }
0x80: {  	[timem:s3], [sflag:s2] =	dma.local @!p0 [hbm:s0], s1  }
0x81: {  	s0 =	simm.s32 @!p0 $0x1  }
0x82: {  	_ =	swait.ge @!p0 [sflag:s0], s1  }
0x83: {  	s1 =	ssub.s32 @!p0 $0x0, s1;
	[sflag:s0] =	ssyncset.done @!p0 $0x0  }
0x84: {  	[sflag:s0] =	ssyncadd.s32 @!p0 s1  }
0x85: {  	[bflag:$0x3] =	sbarrier.arrive $0xFFFF  }
0x86: {  	_ =	shalt  }

// kernel: gather_offload_async_start.2
scs
__scs_entry_jumppad:
0x0: {  	(pc) =	sbr.rel $0x88, $3  }
0x1: {  	(tag) =	ssettag $0x0;
	lr =	simm.s32 $0x1  }
0x2: {  	[smem:$0x3F9F] =	sst lr;
	_ =	strace $0xD0000000  }
0x3: {  	_ = 	snop  }
0x4: {  	_ = 	snop  }
0x5: {  	_ = 	snop  }
0x6: {  	_ = 	snop  }
0x7: {  	_ = 	snop  }
__scs_overlays_trampoline_lowered:
0x8: {  	[smem:$0x3FAE] =	sst s0  }
0x9: {  	[smem:$0x3FAF] =	sst s1  }
0xa: {  	[smem:$0x3FB0] =	sst s2  }
0xb: {  	[smem:$0x3FB1] =	sst s3  }
0xc: {  	[smem:$0x3FB2] =	sst s4  }
0xd: {  	[smem:$0x3FB3] =	sst s5  }
0xe: {  	[smem:$0x3FB4] =	sst s6  }
0xf: {  	[smem:$0x3FB5] =	sst s7  }
0x10: {  	[smem:$0x3FB6] =	sst s8  }
0x11: {  	[smem:$0x3FB7] =	sst s9;
	s0 =	simm.s32 @!p0 $0x0  }
0x12: {  	s1 =	sld [smem:$0x3F9D];
	s0 =	simm.s32 @p0 $0x1  }
0x13: {  	[smem:$0x3FB8] =	sst s0;
	s0 =	simm.s32 @!p1 $0x0  }
0x14: {  	s2 =	sld [smem:$0x3F9C];
	s0 =	simm.s32 @p1 $0x1  }
0x15: {  	[smem:$0x3FB9] =	sst s0;
	s0 =	simm.s32 @!p2 $0x0  }
0x16: {  	s3 =	sld [smem:$0x3FDB];
	s0 =	simm.s32 @p2 $0x1  }
0x17: {  	s4 =	simm.s32 $0x1BF5;
	[smem:$0x3FBB] =	sst s0  }
0x18: {  	s0 =	sld [smem:$0x3F9E];
	_ =	swait.ge [sflag:s4], $0x0  }
0x19: {  	s7 =	sld [smem:$0x3F9F]  }
0x1a: {  	s8 =	sadd.s32 $0xFFFFE003, lr  }
0x1b: {  	s9 =	sadd.s32 $0xFFFFFEF7, lr;
	s5 =	simm.s32 $0xFFFFFFFF;
	p2 =	slt.u32 s8, $0xFFFFF086  }
0x1c: {  	p1 =	slt.u32 s9, $0xF7A;
	s5 =	simm.s32 @!p2 $0x0  }
0x1d: {  	s5 =	simm.s32 @p1 $0x1;
	p0 =	seq.s32 s7, s2  }
0x1e: {  	s7 =	smul.u32 @!p0 $0xF7A, s2;
	p2 =	seq.s32 @!p0 s5, $0x0  }
0x1f: {  	s9 =	smul.u32 $0xF7A, s1;
	s8 =	simm.s32 @!p0 $0x1BF5;
	p2 =	por !p2, p0  }
0x20: {  	[sflag:s8] =	ssyncset.s32 @!p0 $0xFFFFF086;
	s6 =	sadd.s32 @!p0 s3, s7;
	s7 =	simm.s32 @!p0 $0x108  }
0x21: {  	s3 =	sadd.s32 s3, s9;
	s6 =	sadd.s32 @!p0 $0x88, s6;
	s7 =	simm.s32 @p2 $0x1082  }
0x22: {  	[simem:s7], [sflag:s8] =	dma.local @!p0 [hbm:s6], $0xF7A  }
0x23: {  	s9 =	sor.u32 $0xD0000000, s2;
	s6 =	simm.s32 $0x108;
	_ =	swait.ge @!p0 [sflag:s8], $0x0  }
0x24: {  	s3 =	sadd.s32 $0x88, s3;
	s6 =	simm.s32 @!p1 $0x1082;
	[sflag:s4] =	ssyncset.s32 $0xFFFFF086  }
0x25: {  	[simem:s6], [sflag:s4] =	dma.local [hbm:s3], $0xF7A  }
0x26: {  	[smem:$0x3F9F] =	sst s1;
	(tag) =	ssettag s2;
	_ =	strace s9  }
0x27: {  	s1 =	sld [smem:$0x3FAF]  }
0x28: {  	s2 =	sld [smem:$0x3FB0]  }
0x29: {  	s4 =	sld [smem:$0x3FB2]  }
0x2a: {  	p0 =	seq.s32 s5, $0x0;
	s5 =	sld [smem:$0x3FB3]  }
0x2b: {  	s6 =	sld [smem:$0x3FB4]  }
0x2c: {  	s7 =	sld [smem:$0x3FB5]  }
0x2d: {  	s3 =	simm.s32 $0x108;
	s8 =	sld [smem:$0x3FB6]  }
0x2e: {  	s3 =	simm.s32 @!p0 $0x1082;
	s9 =	sld [smem:$0x3FB7]  }
0x2f: {  	lr =	sadd.s32 s0, s3;
	s0 =	sld [smem:$0x3FAE]  }
0x30: {  	s3 =	sld [smem:$0x3FB1]  }
0x31: {  	[smem:$0x3FBA] =	sst s10  }
0x32: {  	s10 =	sld [smem:$0x3FB8];
	_ =	sdelay $0x3  }
0x33: {  	p0 =	seq.s32 s10, $0x1;
	s10 =	sld [smem:$0x3FBA];
	_ =	sdelay $0x3  }
0x34: {  	[smem:$0x3FBA] =	sst s10  }
0x35: {  	s10 =	sld [smem:$0x3FB9];
	_ =	sdelay $0x3  }
0x36: {  	p1 =	seq.s32 s10, $0x1;
	s10 =	sld [smem:$0x3FBA];
	_ =	sdelay $0x3  }
0x37: {  	[smem:$0x3FBA] =	sst s10  }
0x38: {  	s10 =	sld [smem:$0x3FBB]  }
0x39: {  	_ = 	snop;
	(pc) =	sbr.ind lr, $3  }
0x3a: {  	_ = 	snop  }
0x3b: {  	_ = 	snop  }
0x3c: {  	p2 =	seq.s32 s10, $0x1;
	s10 =	sld [smem:$0x3FBA]  }
0x3d: {  	_ =	shalt  }
0x3e: {  	_ =	shalt  }
0x3f: {  	_ =	shalt  }
0x40: {  	_ =	shalt  }
0x41: {  	_ =	shalt  }
0x42: {  	_ =	shalt  }
0x43: {  	_ =	shalt  }
0x44: {  	_ =	shalt  }
0x45: {  	_ =	shalt  }
0x46: {  	_ =	shalt  }
0x47: {  	_ =	shalt  }
0x48: {  	_ =	shalt  }
0x49: {  	_ =	shalt  }
0x4a: {  	_ =	shalt  }
0x4b: {  	_ =	shalt  }
0x4c: {  	_ =	shalt  }
0x4d: {  	_ =	shalt  }
0x4e: {  	_ =	shalt  }
0x4f: {  	_ =	shalt  }
0x50: {  	_ =	shalt  }
0x51: {  	_ =	shalt  }
0x52: {  	_ =	shalt  }
0x53: {  	_ =	shalt  }
0x54: {  	_ =	shalt  }
0x55: {  	_ =	shalt  }
0x56: {  	_ =	shalt  }
0x57: {  	_ =	shalt  }
0x58: {  	_ =	shalt  }
0x59: {  	_ =	shalt  }
0x5a: {  	_ =	shalt  }
0x5b: {  	_ =	shalt  }
0x5c: {  	_ =	shalt  }
0x5d: {  	_ =	shalt  }
0x5e: {  	_ =	shalt  }
0x5f: {  	_ =	shalt  }
0x60: {  	_ =	shalt  }
0x61: {  	_ =	shalt  }
0x62: {  	_ =	shalt  }
0x63: {  	_ =	shalt  }
0x64: {  	_ =	shalt  }
0x65: {  	_ =	shalt  }
0x66: {  	_ =	shalt  }
0x67: {  	_ =	shalt  }
0x68: {  	_ =	shalt  }
0x69: {  	_ =	shalt  }
0x6a: {  	_ =	shalt  }
0x6b: {  	_ =	shalt  }
0x6c: {  	_ =	shalt  }
0x6d: {  	_ =	shalt  }
0x6e: {  	_ =	shalt  }
0x6f: {  	_ =	shalt  }
0x70: {  	_ =	shalt  }
0x71: {  	_ =	shalt  }
0x72: {  	_ =	shalt  }
0x73: {  	_ =	shalt  }
0x74: {  	_ =	shalt  }
0x75: {  	_ =	shalt  }
0x76: {  	_ =	shalt  }
0x77: {  	_ =	shalt  }
0x78: {  	_ =	shalt  }
0x79: {  	_ =	shalt  }
0x7a: {  	_ =	shalt  }
0x7b: {  	_ =	shalt  }
0x7c: {  	_ =	shalt  }
0x7d: {  	_ =	shalt  }
0x7e: {  	_ =	shalt  }
0x7f: {  	_ =	shalt  }
0x80: {  	_ =	shalt  }
0x81: {  	_ =	shalt  }
0x82: {  	_ =	shalt  }
0x83: {  	_ =	shalt  }
0x84: {  	_ =	shalt  }
0x85: {  	_ =	shalt  }
0x86: {  	_ =	shalt  }
0x87: {  	_ =	shalt  }
.Lfunc_end0:
.L_simem_size_0:
called_computation.2_lowered:
.L_overlay_start_0:
0x88: {  	s2 =	sld [smem:$0x3FD9]  }
0x89: {  	s3 =	sld [smem:$0x3FFE];
	_ =	sdelay $0x1  }
0x8a: {  	s1 =	srdreg.scid  }
0x8b: {  	s0 =	sand.u32 $0x1, s1  }
0x8c: {  	s16 =	sshll.u32 s0, $0xA;
	s2 =	sadd.s32 s3, s2  }
0x8d: {  	s2 =	sadd.s32 s2, s16  }
0x8e: {  	[smem:$0x3FC6] =	sst s2  }
0x8f: {  	_ = 	snop  }
0x90: {  	(tm) =	ssettm $0x1  }
0x91: {  	s17 =	sld [smem:$0x3FFB];
	_ =	sdelay $0x3  }
0x92: {  	_ =	strace s17  }
0x93: {  	s2 =	sld [smem:$0x3FFC];
	_ =	sdelay $0x3  }
0x94: {  	_ =	strace s2  }
0x95: {  	s2 =	sld [smem:$0x3FFD];
	_ =	sdelay $0x3  }
0x96: {  	_ =	strace s2  }
0x97: {  	_ =	strace $0x8FFFFFFF  }
0x98: {  	s18 =	sld [smem:$0x3FDB];
	_ =	sdelay $0x1  }
0x99: {  	s19 =	simm.s32 $_scs_section_size  }
0x9a: {  	s4 =	simm.s32 $_size__tile_overlayer_lowered;
	s5 =	simm.s32 $_tile_overlayer_lowered  }
0x9b: {  	s22 =	simm.s32 $0x1BFF;
	s21 =	sshll.u32 s5, $0x1;
	s2 =	sadd.s32 s19, s18  }
0x9c: {  	s6 =	simm.s32 $0x0;
	s20 =	sshll.u32 s4, $0x1;
	s4 =	sadd.s32 s21, s2  }
0x9d: {  	[timem:s6], [sflag:s22] =	dma.local [hbm:s4], s20  }
0x9e: {  	_ =	swait.ge [sflag:s22], s20  }
0x9f: {  	s3 =	ssub.s32 $0x0, s20;
	[sflag:s22] =	ssyncset.done $0x0  }
0xa0: {  	[sflag:s22] =	ssyncadd.s32 s3;
	_ =	sdelay $0x1  }
0xa1: {  	s23 =	simm.s32 $0x1B8B  }
0xa2: {  	_ =	swait.ge [sflag:s23], $0x1  }
0xa3: {  	[sflag:s23] =	ssyncset.done $0x0  }
0xa4: {  	s25 =	simm.s32 $0x1B8E;
	s24 =	sld [smem:$0x3FFE];
	[sflag:s23] =	ssyncadd.s32 $0xFFFFFFFF  }
0xa5: {  	s26 =	simm.s32 $execute0_lowered;
	[smem:$0x3FD2] =	sst s25  }
0xa6: {  	s4 =	sshll.u32 s26, $0x1;
	_ =	strace $0x80000046;
	[dreg:$0x1] =	wrdreg $0xFFFFFFFF  }
0xa7: {  	s28 =	simm.s32 $_size_execute0_lowered;
	s2 =	sadd.s32 s2, s4;
	[dreg:$0x0] =	wrdreg $0x0  }
0xa8: {  	s4 =	sshll.u32 s28, $0x1;
	[dreg:$0x2] =	wrdreg s2  }
0xa9: {  	[dreg:$0x3] =	wrdreg s4  }
0xaa: {  	[dreg:$0x4] =	wrdreg $0xC0  }
0xab: {  	_ =	task [dreg:s6], $0x5FFFF  }
0xac: {  	[dreg:$0x1] =	wrdreg $0xFFFFFFFF  }
0xad: {  	[dreg:$0x0] =	wrdreg $0x60  }
0xae: {  	[dreg:$0x2] =	wrdreg s24  }
0xaf: {  	[dreg:$0x3] =	wrdreg $0x9  }
0xb0: {  	_ =	task.clear_ibuf [dreg:s6], $0x4FFFF;
	_ =	strace $0x90000046  }
0xb1: {  	s29 =	simm.s32 $0x9;
	_ =	strace $0x80000048  }
0xb2: {  	_ =	swait.ge [sflag:s29], $0x1  }
0xb3: {  	[sflag:s29] =	ssyncadd.s32 $0xFFFFFFFF  }
0xb4: {  	_ =	strace $0x90000048  }
0xb5: {  	_ =	sfence  }
0xb6: {  	s30 =	sld [smem:$0x0];
	_ =	sdelay $0x2  }
0xb7: {  	s31 =	sshll.u32 s1, $0xD;
	s1 =	sshrl.u32 s1, $0x2  }
0xb8: {  	s3 =	sand.u32 $0x4000, s31;
	s1 =	sadd.s32 s1, s30  }
0xb9: {  	s0 =	sor.u32 s3, s0;
	s1 =	sshll.u32 s1, $0x11  }
0xba: {  	s0 =	sor.u32 s1, s0  }
0xbb: {  	s0 =	sadd.s32 $0x8F2B, s0  }
0xbc: {  	[sflag:s0] =	ssyncadd.remote.s32 $0x1  }
0xbd: {  	_ =	sfence.sel $0xFFFF  }
0xbe: {  	[dreg:$0x0] =	wrdreg $0xFFFFFFFF;
	(pc) =	sbr.abs _section_cstart, $3  }
0xbf: {  	[dreg:$0x1] =	wrdreg $0xFFFFFFFF  }
0xc0: {  	_ =	task.clear_ibuf [dreg:s6], $0x2FFFF;
	_ =	strace $0x9FFFFFFF  }
0xc1: {  	(tm) =	ssettm $0x7FFFFFFF  }
tec
execute0_lowered:
.L_overlay_start_1:
0x0: {  	(tag) =	ssettag $0x1  }
0x1: {  	s0 =	stileid.u32  }
0x2: {  	s1 =	srdreg.scid;
	s2 =	rddreg [dreg:$0x0]  }
0x3: {  	s5 =	simm.s32 $0x1;
	s8 =	simm.s32 $0x1;
	s9 =	simm.s32 $0x3  }
0x4: {  	s10 =	simm.s32 $0x0;
	s3 =	sand.u32 $0x1, s1;
	s4 =	sshll.u32 s0, $0x1  }
0x5: {  	s13 =	simm.s32 $0x0;
	s12 =	simm.s32 $0x0;
	s6 =	sor.u32 s4, s3  }
0x6: {  	s1 =	rddreg [dreg:$0x1];
	_ =	strace $0x80000047;
	s4 =	smul.u32 $0x500, s6  }
0x7: {  	s3 =	sadd.s32 $0x2000, s2;
	p0 =	slt.u32 s6, $0x13;
	s6 =	simm.s32 $0xA000  }
.Ltmp0:
0x8: {  	s6 =	simm.s32 @!p0 $0x0;
	s7 =	ssub.s32 $0xFA00, s4;
	(pc) =	sbr.rel .LBB2_1-.Ltmp0, $4  }
0x9: {  	s8 =	simm.s32 @!p0 $0x0;
	p0 =	sne.s32 s7, s6;
	s7 =	simm.s32 $0x1  }
0xa: {  	[sflag:s5] =	ssyncpa.u1 $0x0;
	s6 =	simm.s32 $0x2;
	s7 =	simm.s32 @!p0 $0x0  }
0xb: {  	s11 =	smov.u32 s4;
	[sflag:s6] =	ssyncpa.u1 $0x0;
	s7 =	sadd.s32 s8, s7  }
0xc: {  	vm0 =	vmmov $0xffff;
	v0 =	vlaneseq.u32;
	s8 =	sadd.s32 $0x32000, s2;
	[sflag:s9] =	ssyncpa.u1 $0x0;
	s9 =	sadd.s32 $0x1, s7  }
.LBB2_4:
0xd: {  	_ =	sdelay $0x3  }
0xe: {  	[tilespmem:s22], [sflag:$0x1] =	stream.indirect_vreg.gather [hbm4b:s3+s10], $0x1, v1, vm0, $0x4038;
	[tilespmem:$0x3200] =	vst v63  }
0xf: {  	s15 =	sadd.s32 s19, s15  }
0x10: {  	v1 =	vld.msk [tilespmem:s15+$0x0 ss:$0x1], $0xffff;
	_ =	sdelay $0x4  }
0x11: {  	v2 =	vshrl.u32 v1, $0x3  }
0x12: {  	v3 =	vand.u32 $0x7, v1;
	vm1 =	veq.s32 v1, $0x80000000;
	v1 =	vand.u32 $0xFFFF, v2  }
0x13: {  	p0 =	sgt.s32 s18, $0x0;
	v2 =	vmul.u32 $0x30000, v3;
	v1 =	vsel vm1, $0xFFFFFFFF, v1  }
0x14: {  	s18 =	simm.s32 @!p0 $0x0;
	v3 =	vshll.u32 v1, $0x2  }
0x15: {  	s25 =	smin.u32 s18, $0x10;
	v2 =	vsel vm1, $0xFFFD0000, v2;
	v3 =	vand.u32 $0xFFFFFE00, v3  }
0x16: {  	v1 =	vand.u32 $0x7F, v1;
	v2 =	vadd.s32 v2, v3;
	v3 =	vmov s25  }
0x17: {  	v1 =	vor.u32 v1, v2;
	vm1 =	vgt.u32 v3, v0  }
0x18: {  	v2 =	vnsel vm1, $0x7FFFFFFF, v1;
	_ =	sdelay $0x1  }
0x19: {  	s26 =	sand.u32 $0x1E00, s16;
	v3 =	vor.u32 $0x80, v1  }
0x1a: {  	s28 =	sand.u32 $0x70, s17;
	(ifvalue) =	ssetifvalue $0x7FFFFFFF;
	s15 =	sadd.s32 s26, s14;
	v3 =	vnsel vm1, $0x7FFFFFFF, v3  }
0x1b: {  	s15 =	sadd.s32 s28, s15;
	(ifvalue) =	ssetifvalue $0x7FFFFFFF  }
0x1c: {  	v4 =	vor.u32 $0x100, v1;
	[tilespmem:s15], [sflag:$0x1] =	stream.indirect_vreg.gather [hbm4b:s3+s10], $0x1, v2, vm0, $0x4038;
	[tilespmem:$0x3200] =	vst v63  }
0x1d: {  	(ifvalue) =	ssetifvalue $0x7FFFFFFF;
	v2 =	vnsel vm1, $0x7FFFFFFF, v4  }
0x1e: {  	s16 =	sadd.s32 $0x80, s15;
	(ifvalue) =	ssetifvalue $0x7FFFFFFF  }
0x1f: {  	v1 =	vor.u32 $0x180, v1;
	[tilespmem:s16], [sflag:$0x1] =	stream.indirect_vreg.gather [hbm4b:s3+s10], $0x1, v3, vm0, $0x4038;
	[tilespmem:$0x3200] =	vst v63  }
0x20: {  	v1 =	vnsel vm1, $0x7FFFFFFF, v1;
	(ifvalue) =	ssetifvalue $0x7FFFFFFF  }
0x21: {  	s29 =	sadd.s32 $0x100, s15;
	(ifvalue) =	ssetifvalue $0x7FFFFFFF  }
0x22: {  	[tilespmem:s29], [sflag:$0x1] =	stream.indirect_vreg.gather [hbm4b:s3+s10], $0x1, v2, vm0, $0x4038;
	[tilespmem:$0x3200] =	vst v63  }
0x23: {  	(ifvalue) =	ssetifvalue $0x7FFFFFFF  }
0x24: {  	s30 =	sshll.u32 s13, $0x2;
	s15 =	sadd.s32 $0x180, s15;
	(ifvalue) =	ssetifvalue $0x7FFFFFFF  }
0x25: {  	[tilespmem:s15], [sflag:$0x1] =	stream.indirect_vreg.gather [hbm4b:s3+s10], $0x1, v1, vm0, $0x4038;
	[tilespmem:$0x3200] =	vst v63  }
0x26: {  	s31 =	sand.u32 $0x78, s13;
	s15 =	sand.u32 $0xFFFFFE00, s30  }
0x27: {  	_ =	swait.ge [sflag:s5], $0x1400;
	s13 =	sor.u32 s31, s15  }
0x28: {  	[sflag:s5] =	ssyncset.done $0x0;
	s13 =	sshrl.u32 s13, $0x3  }
0x29: {  	[sflag:s5] =	ssyncadd.s32 $0xFFFFEC00;
	s13 =	sadd.s32 s8, s13  }
0x2a: {  	[hbm:s13] =	stream.linear.scatter [tilespmem:s14], [sflag:$0x3], $0x1400, $0x38;
	[tilespmem:$0x3200] =	vst v63  }
.LBB2_5:
0x2b: {  	s15 =	sadd.s32 $0xA000, s11  }
0x2c: {  	p1 =	sgt.s32 s15, $0xF9FF  }
0x2d: {  	s15 =	smov.u32 @p1 s4;
	p1 =	sne.s32 s12, s9  }
.Ltmp1:
0x2e: {  	p0 =	slt.u32 s12, $0x2;
	(pc) =	sbr.rel @!p1 .LBB2_6-.Ltmp1, $4  }
0x2f: {  	s14 =	simm.s32 @!p0 $0x3  }
0x30: {  	_ =	swait.ge @!p0 [sflag:s14], $0x1400  }
0x31: {  	s16 =	sadd.s32 $0x1, s12;
	s13 =	smov.u32 s11;
	[sflag:s14] =	ssyncset.done @!p0 $0x0  }
0x32: {  	s12 =	smov.u32 s16;
	s11 =	smov.u32 s15;
	[sflag:s14] =	ssyncadd.s32 @!p0 $0xFFFFEC00  }
.LBB2_1:
0x33: {  	p0 =	sge.u32 s12, s7  }
0x34: {  	s14 =	sxor.u32 @!p0 $0x1, s12  }
0x35: {  	s14 =	smul.u32 @!p0 $0x1400, s14  }
0x36: {  	s31 =	sadd.s32 $0xFFFFFFFF, s12;
	s15 =	sshrl.u32 @!p0 s11, $0x3  }
0x37: {  	s16 =	sand.u32 @!p0 $0x7, s11;
	s15 =	sadd.s32 @!p0 s2, s15;
	s14 =	sshra.s32 @!p0 s14, $0x2  }
0x38: {  	[tilespmem:s14], [sflag:$0x2] =	stream.linear.gather @!p0 [hbm4b:s15+s16], $0x500, $0x38;
	[tilespmem:$0x3200] =	vst v63  }
0x39: {  	p0 =	sge.u32 s31, s7  }
.Ltmp2:
0x3a: {  	_ = 	snop;
	(pc) =	sbr.rel @p0 .LBB2_5-.Ltmp2, $1  }
0x3b: {  	_ =	sdelay $0x3  }
0x3c: {  	s14 =	sand.u32 $0x1, s12  }
0x3d: {  	p0 =	seq.s32 s14, $0x1;
	s14 =	simm.s32 $0x1400  }
0x3e: {  	_ =	swait.ge [sflag:s6], $0x500;
	s14 =	simm.s32 @!p0 $0x0  }
0x3f: {  	[sflag:s6] =	ssyncset.done $0x0;
	s15 =	sshrl.u32 s14, $0x2  }
0x40: {  	[sflag:s6] =	ssyncadd.s32 $0xFFFFFB00;
	s16 =	sadd.s32 $0x0, s15  }
0x41: {  	v1 =	vld.msk [tilespmem:s16+$0x0 ss:$0x1], $0xffff;
	_ =	sdelay $0x3  }
0x42: {  	s17 =	ssub.s32 $0xFA00, s13  }
0x43: {  	p0 =	slt.s32 s17, $0x500;
	v2 =	vshrl.u32 v1, $0x3  }
0x44: {  	s17 =	simm.s32 @!p0 $0x500;
	v3 =	vand.u32 $0x7, v1;
	vm1 =	veq.s32 v1, $0x80000000;
	v1 =	vand.u32 $0xFFFF, v2  }
0x45: {  	p0 =	sgt.s32 s17, $0x0;
	s16 =	smov.u32 s17;
	v2 =	vmul.u32 $0x30000, v3;
	v1 =	vsel vm1, $0xFFFFFFFF, v1  }
0x46: {  	s16 =	simm.s32 @!p0 $0x0;
	v3 =	vshll.u32 v1, $0x2  }
0x47: {  	s16 =	smin.u32 s16, $0x10;
	v2 =	vsel vm1, $0xFFFD0000, v2;
	v3 =	vand.u32 $0xFFFFFE00, v3  }
0x48: {  	v1 =	vand.u32 $0x7F, v1;
	v2 =	vadd.s32 v2, v3;
	v3 =	vmov s16  }
0x49: {  	v1 =	vor.u32 v1, v2;
	vm1 =	vgt.u32 v3, v0  }
0x4a: {  	v2 =	vnsel vm1, $0x7FFFFFFF, v1  }
0x4b: {  	s31 =	simm.s32 $0x0  }
0x4c: {  	s18 =	sand.u32 $0x1E00, s31;
	s14 =	sor.u32 $0xA00, s14;
	v3 =	vor.u32 $0x80, v1  }
0x4d: {  	s18 =	sadd.s32 s18, s14;
	(ifvalue) =	ssetifvalue $0x7FFFFFFF;
	s16 =	sand.u32 $0x70, s31;
	v3 =	vnsel vm1, $0x7FFFFFFF, v3  }
0x4e: {  	(ifvalue) =	ssetifvalue $0x7FFFFFFF;
	s20 =	sadd.s32 s16, s18  }
0x4f: {  	v4 =	vor.u32 $0x100, v1;
	[tilespmem:s20], [sflag:$0x1] =	stream.indirect_vreg.gather [hbm4b:s3+s10], $0x1, v2, vm0, $0x4038;
	[tilespmem:$0x3200] =	vst v63  }
0x50: {  	(ifvalue) =	ssetifvalue $0x7FFFFFFF;
	v2 =	vnsel vm1, $0x7FFFFFFF, v4  }
0x51: {  	s16 =	sadd.s32 $0x80, s20;
	(ifvalue) =	ssetifvalue $0x7FFFFFFF  }
0x52: {  	v1 =	vor.u32 $0x180, v1;
	[tilespmem:s16], [sflag:$0x1] =	stream.indirect_vreg.gather [hbm4b:s3+s10], $0x1, v3, vm0, $0x4038;
	[tilespmem:$0x3200] =	vst v63  }
0x53: {  	s19 =	simm.s32 $0x10;
	v1 =	vnsel vm1, $0x7FFFFFFF, v1;
	(ifvalue) =	ssetifvalue $0x7FFFFFFF  }
0x54: {  	s21 =	simm.s32 $0x80;
	s18 =	sadd.s32 $0x100, s20;
	(ifvalue) =	ssetifvalue $0x7FFFFFFF  }
0x55: {  	[tilespmem:s18], [sflag:$0x1] =	stream.indirect_vreg.gather [hbm4b:s3+s10], $0x1, v2, vm0, $0x4038;
	[tilespmem:$0x3200] =	vst v63  }
0x56: {  	s22 =	sadd.s32 $0x180, s20;
	s16 =	simm.s32 $0x40;
	(ifvalue) =	ssetifvalue $0x7FFFFFFF  }
0x57: {  	s18 =	sadd.s32 $0xFFFFFFF0, s17;
	s17 =	simm.s32 $0x10;
	(ifvalue) =	ssetifvalue $0x7FFFFFFF  }
.LBB2_3:
0x58: {  	[tilespmem:s22], [sflag:$0x1] =	stream.indirect_vreg.gather [hbm4b:s3+s10], $0x1, v1, vm0, $0x4038;
	[tilespmem:$0x3200] =	vst v63  }
0x59: {  	s22 =	smov.u32 s21  }
0x5a: {  	s20 =	sadd.s32 $0x40, s21;
	s23 =	sadd.s32 s19, s15;
	s19 =	sshra.s32 s22, $0x2  }
0x5b: {  	p0 =	sne.s32 s21, $0x13C0;
	v1 =	vld.msk [tilespmem:s23+$0x0 ss:$0x1], $0xffff  }
0x5c: {  	(ifvalue) =	ssetifvalue $0x7FFFFFFF;
	_ =	sdelay $0x4  }
0x5d: {  	v2 =	vand.u32 $0x7, v1;
	v3 =	vshrl.u32 v1, $0x3  }
0x5e: {  	vm1 =	veq.s32 v1, $0x80000000;
	v1 =	vand.u32 $0xFFFF, v3;
	v2 =	vmul.u32 $0x30000, v2  }
0x5f: {  	p1 =	sgt.s32 s18, $0x0;
	s21 =	smov.u32 s18;
	v1 =	vsel vm1, $0xFFFFFFFF, v1  }
0x60: {  	s21 =	simm.s32 @!p1 $0x0;
	v2 =	vsel vm1, $0xFFFD0000, v2;
	v3 =	vshll.u32 v1, $0x2  }
0x61: {  	s21 =	smin.u32 s21, $0x10;
	v3 =	vand.u32 $0xFFFFFE00, v3  }
0x62: {  	v1 =	vand.u32 $0x7F, v1;
	v2 =	vadd.s32 v2, v3;
	v3 =	vmov s21  }
0x63: {  	v1 =	vor.u32 v1, v2;
	vm1 =	vgt.u32 v3, v0  }
0x64: {  	v2 =	vnsel vm1, $0x7FFFFFFF, v1;
	v3 =	vor.u32 $0x80, v1;
	v4 =	vor.u32 $0x100, v1  }
0x65: {  	v1 =	vor.u32 $0x180, v1  }
0x66: {  	s21 =	sand.u32 $0x1E00, s16;
	s16 =	smov.u32 s22  }
0x67: {  	s22 =	sand.u32 $0x70, s17;
	s21 =	sadd.s32 s21, s14;
	v3 =	vnsel vm1, $0x7FFFFFFF, v3  }
0x68: {  	s21 =	sadd.s32 s22, s21;
	(ifvalue) =	ssetifvalue $0x7FFFFFFF  }
0x69: {  	[tilespmem:s21], [sflag:$0x1] =	stream.indirect_vreg.gather [hbm4b:s3+s10], $0x1, v2, vm0, $0x4038;
	[tilespmem:$0x3200] =	vst v63  }
0x6a: {  	v2 =	vnsel vm1, $0x7FFFFFFF, v4;
	(ifvalue) =	ssetifvalue $0x7FFFFFFF  }
0x6b: {  	s22 =	sadd.s32 $0x80, s21;
	(ifvalue) =	ssetifvalue $0x7FFFFFFF  }
0x6c: {  	[tilespmem:s22], [sflag:$0x1] =	stream.indirect_vreg.gather [hbm4b:s3+s10], $0x1, v3, vm0, $0x4038;
	[tilespmem:$0x3200] =	vst v63  }
.Ltmp3:
0x6d: {  	v1 =	vnsel vm1, $0x7FFFFFFF, v1;
	(ifvalue) =	ssetifvalue $0x7FFFFFFF;
	(pc) =	sbr.rel @p0 .LBB2_3-.Ltmp3, $4  }
0x6e: {  	s22 =	sadd.s32 $0x100, s21;
	(ifvalue) =	ssetifvalue $0x7FFFFFFF  }
0x6f: {  	[tilespmem:s22], [sflag:$0x1] =	stream.indirect_vreg.gather [hbm4b:s3+s10], $0x1, v2, vm0, $0x4038;
	[tilespmem:$0x3200] =	vst v63  }
0x70: {  	s18 =	sadd.s32 $0xFFFFFFF0, s18;
	s17 =	sadd.s32 $0x10, s17;
	(ifvalue) =	ssetifvalue $0x7FFFFFFF  }
0x71: {  	s22 =	sadd.s32 $0x180, s21;
	s21 =	smov.u32 s20;
	(ifvalue) =	ssetifvalue $0x7FFFFFFF  }
.Ltmp4:
0x72: {  	_ = 	snop;
	(pc) =	sbr.rel .LBB2_4-.Ltmp4, $1  }
0x73: {  	_ =	sdelay $0x3  }
.LBB2_6:
0x74: {  	_ =	sfence.sel $0x180000  }
0x75: {  	s2 =	simm.s32 $0x2;
	[bflag:$0x0] =	sbarrier.arrive $0xFFFF  }
0x76: {  	s30 =	simm.s32 $0x3;
	[sflag:s2] =	ssyncpa.u1 $0x1  }
0x77: {  	s31 =	simm.s32 $0x1;
	[sflag:s30] =	ssyncpa.u1 $0x1  }
0x78: {  	[sflag:s31] =	ssyncpa.u1 $0x1  }
0x79: {  	p0 =	sne.s32 s0, $0x0;
	_ =	strace $0x90000047  }
0x7a: {  	s0 =	sadd.s32 @!p0 $0x100000, s1;
	[bflag:$0x2] =	sbarrier.arrive $0xFFFF  }
0x7b: {  	[sflag:s0] =	ssyncadd.tile.s32 @!p0 $0x1;
	_ =	shalt  }
.Lfunc_end2:
_tile_overlayer_lowered:
.L_overlay_start_2:
0x7c: {  	(tag) =	ssettag $0x2  }
0x7d: {  	s0 =	rddreg [dreg:$0x0];
	s2 =	stileid.u32  }
0x7e: {  	s1 =	rddreg [dreg:$0x1];
	p0 =	sne.s32 s2, $0x0  }
0x7f: {  	s3 =	rddreg [dreg:$0x2];
	[bflag:$0x3] =	sbarrier.arrive $0xFFFF;
	s2 =	simm.s32 @!p0 $0x1C01  }
0x80: {  	[timem:s3], [sflag:s2] =	dma.local @!p0 [hbm:s0], s1  }
0x81: {  	s0 =	simm.s32 @!p0 $0x1  }
0x82: {  	_ =	swait.ge @!p0 [sflag:s0], s1  }
0x83: {  	s1 =	ssub.s32 @!p0 $0x0, s1;
	[sflag:s0] =	ssyncset.done @!p0 $0x0  }
0x84: {  	[sflag:s0] =	ssyncadd.s32 @!p0 s1  }
0x85: {  	[bflag:$0x3] =	sbarrier.arrive $0xFFFF  }
0x86: {  	_ =	shalt  }

// kernel: gather_offload_async_start
scs
__scs_entry_jumppad:
0x0: {  	(pc) =	sbr.rel $0x88, $3  }
0x1: {  	(tag) =	ssettag $0x0;
	lr =	simm.s32 $0x1  }
0x2: {  	[smem:$0x3F9F] =	sst lr;
	_ =	strace $0xD0000000  }
0x3: {  	_ = 	snop  }
0x4: {  	_ = 	snop  }
0x5: {  	_ = 	snop  }
0x6: {  	_ = 	snop  }
0x7: {  	_ = 	snop  }
__scs_overlays_trampoline_lowered:
0x8: {  	[smem:$0x3FAE] =	sst s0  }
0x9: {  	[smem:$0x3FAF] =	sst s1  }
0xa: {  	[smem:$0x3FB0] =	sst s2  }
0xb: {  	[smem:$0x3FB1] =	sst s3  }
0xc: {  	[smem:$0x3FB2] =	sst s4  }
0xd: {  	[smem:$0x3FB3] =	sst s5  }
0xe: {  	[smem:$0x3FB4] =	sst s6  }
0xf: {  	[smem:$0x3FB5] =	sst s7  }
0x10: {  	[smem:$0x3FB6] =	sst s8  }
0x11: {  	[smem:$0x3FB7] =	sst s9;
	s0 =	simm.s32 @!p0 $0x0  }
0x12: {  	s1 =	sld [smem:$0x3F9D];
	s0 =	simm.s32 @p0 $0x1  }
0x13: {  	[smem:$0x3FB8] =	sst s0;
	s0 =	simm.s32 @!p1 $0x0  }
0x14: {  	s2 =	sld [smem:$0x3F9C];
	s0 =	simm.s32 @p1 $0x1  }
0x15: {  	[smem:$0x3FB9] =	sst s0;
	s0 =	simm.s32 @!p2 $0x0  }
0x16: {  	s3 =	sld [smem:$0x3FDB];
	s0 =	simm.s32 @p2 $0x1  }
0x17: {  	s4 =	simm.s32 $0x1BF5;
	[smem:$0x3FBB] =	sst s0  }
0x18: {  	s0 =	sld [smem:$0x3F9E];
	_ =	swait.ge [sflag:s4], $0x0  }
0x19: {  	s7 =	sld [smem:$0x3F9F]  }
0x1a: {  	s8 =	sadd.s32 $0xFFFFE003, lr  }
0x1b: {  	s9 =	sadd.s32 $0xFFFFFEF7, lr;
	s5 =	simm.s32 $0xFFFFFFFF;
	p2 =	slt.u32 s8, $0xFFFFF086  }
0x1c: {  	p1 =	slt.u32 s9, $0xF7A;
	s5 =	simm.s32 @!p2 $0x0  }
0x1d: {  	s5 =	simm.s32 @p1 $0x1;
	p0 =	seq.s32 s7, s2  }
0x1e: {  	s7 =	smul.u32 @!p0 $0xF7A, s2;
	p2 =	seq.s32 @!p0 s5, $0x0  }
0x1f: {  	s9 =	smul.u32 $0xF7A, s1;
	s8 =	simm.s32 @!p0 $0x1BF5;
	p2 =	por !p2, p0  }
0x20: {  	[sflag:s8] =	ssyncset.s32 @!p0 $0xFFFFF086;
	s6 =	sadd.s32 @!p0 s3, s7;
	s7 =	simm.s32 @!p0 $0x108  }
0x21: {  	s3 =	sadd.s32 s3, s9;
	s6 =	sadd.s32 @!p0 $0x88, s6;
	s7 =	simm.s32 @p2 $0x1082  }
0x22: {  	[simem:s7], [sflag:s8] =	dma.local @!p0 [hbm:s6], $0xF7A  }
0x23: {  	s9 =	sor.u32 $0xD0000000, s2;
	s6 =	simm.s32 $0x108;
	_ =	swait.ge @!p0 [sflag:s8], $0x0  }
0x24: {  	s3 =	sadd.s32 $0x88, s3;
	s6 =	simm.s32 @!p1 $0x1082;
	[sflag:s4] =	ssyncset.s32 $0xFFFFF086  }
0x25: {  	[simem:s6], [sflag:s4] =	dma.local [hbm:s3], $0xF7A  }
0x26: {  	[smem:$0x3F9F] =	sst s1;
	(tag) =	ssettag s2;
	_ =	strace s9  }
0x27: {  	s1 =	sld [smem:$0x3FAF]  }
0x28: {  	s2 =	sld [smem:$0x3FB0]  }
0x29: {  	s4 =	sld [smem:$0x3FB2]  }
0x2a: {  	p0 =	seq.s32 s5, $0x0;
	s5 =	sld [smem:$0x3FB3]  }
0x2b: {  	s6 =	sld [smem:$0x3FB4]  }
0x2c: {  	s7 =	sld [smem:$0x3FB5]  }
0x2d: {  	s3 =	simm.s32 $0x108;
	s8 =	sld [smem:$0x3FB6]  }
0x2e: {  	s3 =	simm.s32 @!p0 $0x1082;
	s9 =	sld [smem:$0x3FB7]  }
0x2f: {  	lr =	sadd.s32 s0, s3;
	s0 =	sld [smem:$0x3FAE]  }
0x30: {  	s3 =	sld [smem:$0x3FB1]  }
0x31: {  	[smem:$0x3FBA] =	sst s10  }
0x32: {  	s10 =	sld [smem:$0x3FB8];
	_ =	sdelay $0x3  }
0x33: {  	p0 =	seq.s32 s10, $0x1;
	s10 =	sld [smem:$0x3FBA];
	_ =	sdelay $0x3  }
0x34: {  	[smem:$0x3FBA] =	sst s10  }
0x35: {  	s10 =	sld [smem:$0x3FB9];
	_ =	sdelay $0x3  }
0x36: {  	p1 =	seq.s32 s10, $0x1;
	s10 =	sld [smem:$0x3FBA];
	_ =	sdelay $0x3  }
0x37: {  	[smem:$0x3FBA] =	sst s10  }
0x38: {  	s10 =	sld [smem:$0x3FBB]  }
0x39: {  	_ = 	snop;
	(pc) =	sbr.ind lr, $3  }
0x3a: {  	_ = 	snop  }
0x3b: {  	_ = 	snop  }
0x3c: {  	p2 =	seq.s32 s10, $0x1;
	s10 =	sld [smem:$0x3FBA]  }
0x3d: {  	_ =	shalt  }
0x3e: {  	_ =	shalt  }
0x3f: {  	_ =	shalt  }
0x40: {  	_ =	shalt  }
0x41: {  	_ =	shalt  }
0x42: {  	_ =	shalt  }
0x43: {  	_ =	shalt  }
0x44: {  	_ =	shalt  }
0x45: {  	_ =	shalt  }
0x46: {  	_ =	shalt  }
0x47: {  	_ =	shalt  }
0x48: {  	_ =	shalt  }
0x49: {  	_ =	shalt  }
0x4a: {  	_ =	shalt  }
0x4b: {  	_ =	shalt  }
0x4c: {  	_ =	shalt  }
0x4d: {  	_ =	shalt  }
0x4e: {  	_ =	shalt  }
0x4f: {  	_ =	shalt  }
0x50: {  	_ =	shalt  }
0x51: {  	_ =	shalt  }
0x52: {  	_ =	shalt  }
0x53: {  	_ =	shalt  }
0x54: {  	_ =	shalt  }
0x55: {  	_ =	shalt  }
0x56: {  	_ =	shalt  }
0x57: {  	_ =	shalt  }
0x58: {  	_ =	shalt  }
0x59: {  	_ =	shalt  }
0x5a: {  	_ =	shalt  }
0x5b: {  	_ =	shalt  }
0x5c: {  	_ =	shalt  }
0x5d: {  	_ =	shalt  }
0x5e: {  	_ =	shalt  }
0x5f: {  	_ =	shalt  }
0x60: {  	_ =	shalt  }
0x61: {  	_ =	shalt  }
0x62: {  	_ =	shalt  }
0x63: {  	_ =	shalt  }
0x64: {  	_ =	shalt  }
0x65: {  	_ =	shalt  }
0x66: {  	_ =	shalt  }
0x67: {  	_ =	shalt  }
0x68: {  	_ =	shalt  }
0x69: {  	_ =	shalt  }
0x6a: {  	_ =	shalt  }
0x6b: {  	_ =	shalt  }
0x6c: {  	_ =	shalt  }
0x6d: {  	_ =	shalt  }
0x6e: {  	_ =	shalt  }
0x6f: {  	_ =	shalt  }
0x70: {  	_ =	shalt  }
0x71: {  	_ =	shalt  }
0x72: {  	_ =	shalt  }
0x73: {  	_ =	shalt  }
0x74: {  	_ =	shalt  }
0x75: {  	_ =	shalt  }
0x76: {  	_ =	shalt  }
0x77: {  	_ =	shalt  }
0x78: {  	_ =	shalt  }
0x79: {  	_ =	shalt  }
0x7a: {  	_ =	shalt  }
0x7b: {  	_ =	shalt  }
0x7c: {  	_ =	shalt  }
0x7d: {  	_ =	shalt  }
0x7e: {  	_ =	shalt  }
0x7f: {  	_ =	shalt  }
0x80: {  	_ =	shalt  }
0x81: {  	_ =	shalt  }
0x82: {  	_ =	shalt  }
0x83: {  	_ =	shalt  }
0x84: {  	_ =	shalt  }
0x85: {  	_ =	shalt  }
0x86: {  	_ =	shalt  }
0x87: {  	_ =	shalt  }
.Lfunc_end0:
.L_simem_size_0:
called_computation_lowered:
.L_overlay_start_0:
0x88: {  	s2 =	sld [smem:$0x3FD9]  }
0x89: {  	s3 =	sld [smem:$0x3FFE];
	_ =	sdelay $0x1  }
0x8a: {  	s1 =	srdreg.scid  }
0x8b: {  	s0 =	sand.u32 $0x1, s1  }
0x8c: {  	s16 =	sshll.u32 s0, $0xA;
	s2 =	sadd.s32 s3, s2  }
0x8d: {  	s2 =	sadd.s32 s2, s16  }
0x8e: {  	[smem:$0x3FC6] =	sst s2  }
0x8f: {  	_ = 	snop  }
0x90: {  	(tm) =	ssettm $0x1  }
0x91: {  	s17 =	sld [smem:$0x3FFB];
	_ =	sdelay $0x3  }
0x92: {  	_ =	strace s17  }
0x93: {  	s2 =	sld [smem:$0x3FFC];
	_ =	sdelay $0x3  }
0x94: {  	_ =	strace s2  }
0x95: {  	s2 =	sld [smem:$0x3FFD];
	_ =	sdelay $0x3  }
0x96: {  	_ =	strace s2  }
0x97: {  	_ =	strace $0x8FFFFFFF  }
0x98: {  	s18 =	sld [smem:$0x3FDB];
	_ =	sdelay $0x1  }
0x99: {  	s19 =	simm.s32 $_scs_section_size  }
0x9a: {  	s4 =	simm.s32 $_size__tile_overlayer_lowered;
	s5 =	simm.s32 $_tile_overlayer_lowered  }
0x9b: {  	s22 =	simm.s32 $0x1BFF;
	s21 =	sshll.u32 s5, $0x1;
	s2 =	sadd.s32 s19, s18  }
0x9c: {  	s6 =	simm.s32 $0x0;
	s20 =	sshll.u32 s4, $0x1;
	s4 =	sadd.s32 s21, s2  }
0x9d: {  	[timem:s6], [sflag:s22] =	dma.local [hbm:s4], s20  }
0x9e: {  	_ =	swait.ge [sflag:s22], s20  }
0x9f: {  	s3 =	ssub.s32 $0x0, s20;
	[sflag:s22] =	ssyncset.done $0x0  }
0xa0: {  	[sflag:s22] =	ssyncadd.s32 s3;
	_ =	sdelay $0x1  }
0xa1: {  	s23 =	simm.s32 $0x1B8B  }
0xa2: {  	_ =	swait.ge [sflag:s23], $0x1  }
0xa3: {  	[sflag:s23] =	ssyncset.done $0x0  }
0xa4: {  	s25 =	simm.s32 $0x1B8E;
	s24 =	sld [smem:$0x3FFE];
	[sflag:s23] =	ssyncadd.s32 $0xFFFFFFFF  }
0xa5: {  	s26 =	simm.s32 $execute0_lowered;
	[smem:$0x3FD2] =	sst s25  }
0xa6: {  	s4 =	sshll.u32 s26, $0x1;
	_ =	strace $0x80000049;
	[dreg:$0x1] =	wrdreg $0xFFFFFFFF  }
0xa7: {  	s28 =	simm.s32 $_size_execute0_lowered;
	s2 =	sadd.s32 s2, s4;
	[dreg:$0x0] =	wrdreg $0x0  }
0xa8: {  	s4 =	sshll.u32 s28, $0x1;
	[dreg:$0x2] =	wrdreg s2  }
0xa9: {  	[dreg:$0x3] =	wrdreg s4  }
0xaa: {  	[dreg:$0x4] =	wrdreg $0xC0  }
0xab: {  	_ =	task [dreg:s6], $0x5FFFF  }
0xac: {  	[dreg:$0x1] =	wrdreg $0xFFFFFFFF  }
0xad: {  	[dreg:$0x0] =	wrdreg $0x60  }
0xae: {  	[dreg:$0x2] =	wrdreg s24  }
0xaf: {  	[dreg:$0x3] =	wrdreg $0x9  }
0xb0: {  	_ =	task.clear_ibuf [dreg:s6], $0x4FFFF;
	_ =	strace $0x90000049  }
0xb1: {  	s29 =	simm.s32 $0x9;
	_ =	strace $0x8000004B  }
0xb2: {  	_ =	swait.ge [sflag:s29], $0x1  }
0xb3: {  	[sflag:s29] =	ssyncadd.s32 $0xFFFFFFFF  }
0xb4: {  	_ =	strace $0x9000004B  }
0xb5: {  	_ =	sfence  }
0xb6: {  	s30 =	sld [smem:$0x0];
	_ =	sdelay $0x2  }
0xb7: {  	s31 =	sshll.u32 s1, $0xD;
	s1 =	sshrl.u32 s1, $0x2  }
0xb8: {  	s3 =	sand.u32 $0x4000, s31;
	s1 =	sadd.s32 s1, s30  }
0xb9: {  	s0 =	sor.u32 s3, s0;
	s1 =	sshll.u32 s1, $0x11  }
0xba: {  	s0 =	sor.u32 s1, s0  }
0xbb: {  	s0 =	sadd.s32 $0x8F2B, s0  }
0xbc: {  	[sflag:s0] =	ssyncadd.remote.s32 $0x1  }
0xbd: {  	_ =	sfence.sel $0xFFFF  }
0xbe: {  	[dreg:$0x0] =	wrdreg $0xFFFFFFFF;
	(pc) =	sbr.abs _section_cstart, $3  }
0xbf: {  	[dreg:$0x1] =	wrdreg $0xFFFFFFFF  }
0xc0: {  	_ =	task.clear_ibuf [dreg:s6], $0x2FFFF;
	_ =	strace $0x9FFFFFFF  }
0xc1: {  	(tm) =	ssettm $0x7FFFFFFF  }
tec
execute0_lowered:
.L_overlay_start_1:
0x0: {  	(tag) =	ssettag $0x1  }
0x1: {  	s0 =	srdreg.scid  }
0x2: {  	s1 =	sshll.u32 s0, $0x4  }
0x3: {  	s0 =	stileid.u32;
	s1 =	sand.u32 $0x10, s1  }
0x4: {  	s1 =	sor.u32 s0, s1  }
0x5: {  	s2 =	smul.u32 $0x6, s1  }
0x6: {  	s3 =	smin.u32 s1, $0x8  }
0x7: {  	s2 =	sadd.s32 s3, s2  }
0x8: {  	p0 =	sgt.u32 s1, $0x7;
	s1 =	simm.s32 $0x780;
	s2 =	smul.u32 $0x140, s2  }
0x9: {  	s1 =	simm.s32 @!p0 $0x8C0  }
0xa: {  	s1 =	sadd.s32 s1, s2  }
0xb: {  	s3 =	smin.u32 s1, $0xFA00  }
0xc: {  	s7 =	ssub.s32 s3, s2  }
0xd: {  	p0 =	sgt.s32 s7, $0x0  }
0xe: {  	s7 =	simm.s32 @!p0 $0x0  }
0xf: {  	s31 =	smul.u32 $0xCCCD, s7  }
0x10: {  	s9 =	rddreg [dreg:$0x0];
	s6 =	simm.s32 $0x1;
	s11 =	simm.s32 $0x3  }
0x11: {  	s13 =	simm.s32 $0x0;
	s12 =	simm.s32 $0x0;
	s8 =	sshrl.u32 s31, $0x18  }
0x12: {  	s4 =	sadd.s32 $0x6000, s9;
	s5 =	sadd.s32 $0x4000, s9;
	s10 =	smul.u32 $0x140, s8  }
.Ltmp0:
0x13: {  	s9 =	sadd.s32 $0xC5E00, s9;
	s1 =	rddreg [dreg:$0x1];
	(pc) =	sbr.rel .LBB2_1-.Ltmp0, $4  }
0x14: {  	_ =	strace $0x8000004A;
	p0 =	sne.s32 s7, s10;
	s10 =	simm.s32 $0x1  }
0x15: {  	[sflag:s6] =	ssyncpa.u1 $0x0;
	s7 =	simm.s32 $0x2;
	s10 =	simm.s32 @!p0 $0x0  }
0x16: {  	[sflag:s7] =	ssyncpa.u1 $0x0;
	p0 =	por $0x0, $0x0;
	s8 =	sadd.s32 s8, s10  }
0x17: {  	vm0 =	vmmov $0xff;
	vm1 =	vcmask $0x3F20;
	[sflag:s11] =	ssyncpa.u1 $0x0;
	s11 =	smov.u32 s2;
	s10 =	sadd.s32 $0x1, s8  }
.LBB2_6:
0x18: {  	[hbm:s17] =	stream.linear.scatter [tilespmem:s14], [sflag:$0x3], $0x400, $0x38;
	[tilespmem:$0x14280] =	vst v63  }
.LBB2_7:
0x19: {  	s13 =	sadd.s32 $0x140, s11  }
0x1a: {  	s15 =	smov.u32 s2;
	p2 =	slt.s32 s13, s3  }
0x1b: {  	s15 =	smov.u32 @p2 s13;
	p2 =	sne.s32 s12, s10  }
.Ltmp1:
0x1c: {  	p1 =	slt.u32 s12, $0x2;
	(pc) =	sbr.rel @!p2 .LBB2_8-.Ltmp1, $4  }
0x1d: {  	s14 =	simm.s32 @!p1 $0x3  }
0x1e: {  	s16 =	sadd.s32 $0x1, s12;
	_ =	swait.ge @!p1 [sflag:s14], $0xA000  }
0x1f: {  	p0 =	por !p0, !p0;
	s13 =	smov.u32 s11;
	[sflag:s14] =	ssyncset.done @!p1 $0x0  }
0x20: {  	s12 =	smov.u32 s16;
	s11 =	smov.u32 s15;
	[sflag:s14] =	ssyncadd.s32 @!p1 $0xFFFF6000  }
.LBB2_1:
0x21: {  	p1 =	sge.u32 s12, s8  }
0x22: {  	s14 =	sxor.u32 @!p1 $0xFFFFFFFF, s12  }
0x23: {  	s14 =	sand.u32 @!p1 $0x1, s14  }
0x24: {  	s14 =	smul.u32 @!p1 $0x500, s14  }
0x25: {  	s31 =	sadd.s32 $0xFFFFFFFF, s12;
	s15 =	sshrl.u32 @!p1 s11, $0x3  }
0x26: {  	s16 =	sand.u32 @!p1 $0x7, s11;
	s15 =	sadd.s32 @!p1 s5, s15;
	s14 =	sshrl.u32 @!p1 s14, $0x2  }
0x27: {  	[tilespmem:s14], [sflag:$0x2] =	stream.linear.gather @!p1 [hbm4b:s15+s16], $0x140, $0x38;
	[tilespmem:$0x14280] =	vst v63  }
0x28: {  	p1 =	sge.u32 s31, s8  }
.Ltmp2:
0x29: {  	_ = 	snop;
	(pc) =	sbr.rel @p1 .LBB2_7-.Ltmp2, $1  }
0x2a: {  	_ =	sdelay $0x3  }
0x2b: {  	s14 =	simm.s32 $0x1  }
0x2c: {  	s14 =	simm.s32 @!p0 $0x0  }
0x2d: {  	s15 =	smul.u32 $0x500, s14  }
0x2e: {  	_ =	swait.ge [sflag:s7], $0x140  }
0x2f: {  	[sflag:s7] =	ssyncset.done $0x0;
	s16 =	sshrl.u32 s15, $0x2  }
0x30: {  	[sflag:s7] =	ssyncadd.s32 $0xFFFFFEC0;
	s15 =	sadd.s32 $0x0, s16  }
0x31: {  	v0 =	vld.msk [tilespmem:s15+$0x0 ss:$0x1], $0xffff;
	_ =	sdelay $0x4  }
0x32: {  	vm2 =	vgt.s32 v0, $0x0  }
0x33: {  	v0 =	vnsel vm2, $0x0, v0  }
0x34: {  	v0 =	vmin.u32 v0, $0xBFCF  }
0x35: {  	v0 =	vshll.u32 v0, $0x4  }
0x36: {  	s14 =	smul.u32 $0x28000, s14;
	_ =	sdelay $0x1  }
0x37: {  	s14 =	sshrl.u32 s14, $0x2  }
0x38: {  	s14 =	sor.u32 $0x280, s14  }
0x39: {  	[tilespmem:s14], [sflag:$0x1] =	stream.indirect_vreg.gather [hbm:s4], $0x80, v0, vm0, $0x38;
	[tilespmem:$0x14280] =	vst v63  }
0x3a: {  	s17 =	sadd.s32 $0x10, s16;
	s15 =	sadd.s32 $0x400, s14  }
0x3b: {  	[tilespmem:s15], [sflag:$0x1] =	stream.indirect_vreg.gather [hbm:s4], $0x80, v0, vm1, $0x38;
	[tilespmem:$0x14280] =	vst v63  }
0x3c: {  	s18 =	simm.s32 $0x80;
	v0 =	vld.msk [tilespmem:s17+$0x0 ss:$0x1], $0xffff;
	s17 =	smov.u32 s14  }
.LBB2_3:
0x3d: {  	p1 =	sne.s32 s18, $0x4C0;
	_ =	sdelay $0x4  }
0x3e: {  	vm2 =	vgt.s32 v0, $0x0  }
0x3f: {  	v0 =	vnsel vm2, $0x0, v0  }
0x40: {  	v0 =	vmin.u32 v0, $0xBFCF  }
0x41: {  	v0 =	vshll.u32 v0, $0x4;
	_ =	sdelay $0x3  }
.Ltmp3:
0x42: {  	s19 =	sshra.s32 s18, $0x2;
	s17 =	sadd.s32 $0x800, s17;
	(pc) =	sbr.rel @p1 .LBB2_3-.Ltmp3, $4  }
0x43: {  	[tilespmem:s17], [sflag:$0x1] =	stream.indirect_vreg.gather [hbm:s4], $0x80, v0, vm0, $0x38;
	[tilespmem:$0x14280] =	vst v63  }
0x44: {  	s19 =	sadd.s32 s19, s16;
	s20 =	sadd.s32 $0x400, s17  }
0x45: {  	[tilespmem:s20], [sflag:$0x1] =	stream.indirect_vreg.gather [hbm:s4], $0x80, v0, vm1, $0x38;
	[tilespmem:$0x14280] =	vst v63  }
0x46: {  	s18 =	sadd.s32 $0x40, s18;
	v0 =	vld.msk [tilespmem:s19+$0x0 ss:$0x1], $0xffff  }
0x47: {  	_ =	sdelay $0x3  }
0x48: {  	vm2 =	vgt.s32 v0, $0x0  }
0x49: {  	v0 =	vnsel vm2, $0x0, v0  }
0x4a: {  	v0 =	vmin.u32 v0, $0xBFCF  }
0x4b: {  	v0 =	vshll.u32 v0, $0x4;
	_ =	sdelay $0x3  }
0x4c: {  	s16 =	sadd.s32 $0x800, s17  }
0x4d: {  	[tilespmem:s16], [sflag:$0x1] =	stream.indirect_vreg.gather [hbm:s4], $0x80, v0, vm0, $0x38;
	[tilespmem:$0x14280] =	vst v63  }
0x4e: {  	s16 =	sadd.s32 $0x400, s16  }
0x4f: {  	[tilespmem:s16], [sflag:$0x1] =	stream.indirect_vreg.gather [hbm:s4], $0x80, v0, vm1, $0x38;
	[tilespmem:$0x14280] =	vst v63  }
0x50: {  	s13 =	sshll.u32 s13, $0x4;
	_ =	swait.ge [sflag:s6], $0xA000  }
0x51: {  	s13 =	sadd.s32 s13, s9;
	[sflag:s6] =	ssyncset.done $0x0  }
0x52: {  	s17 =	sadd.s32 $0x0, s13;
	s16 =	simm.s32 $0x80;
	[sflag:s6] =	ssyncadd.s32 $0xFFFF6000  }
.LBB2_5:
0x53: {  	[hbm:s17] =	stream.linear.scatter [tilespmem:s14], [sflag:$0x3], $0x400, $0x38;
	[tilespmem:$0x14280] =	vst v63  }
0x54: {  	s17 =	smov.u32 s16;
	s14 =	smov.u32 s15;
	p1 =	sne.s32 s16, $0x1380  }
.Ltmp4:
0x55: {  	s16 =	sadd.s32 $0x80, s16;
	(pc) =	sbr.rel @p1 .LBB2_5-.Ltmp4, $2  }
0x56: {  	_ =	sdelay $0x2  }
0x57: {  	s15 =	sadd.s32 $0x400, s15;
	s17 =	sadd.s32 s17, s13  }
.Ltmp5:
0x58: {  	_ = 	snop;
	(pc) =	sbr.rel .LBB2_6-.Ltmp5, $1  }
0x59: {  	_ =	sdelay $0x3  }
.LBB2_8:
0x5a: {  	_ =	sfence.sel $0x180000  }
0x5b: {  	s2 =	simm.s32 $0x2;
	[bflag:$0x0] =	sbarrier.arrive $0xFFFF  }
0x5c: {  	s30 =	simm.s32 $0x3;
	[sflag:s2] =	ssyncpa.u1 $0x1  }
0x5d: {  	s31 =	simm.s32 $0x1;
	[sflag:s30] =	ssyncpa.u1 $0x1  }
0x5e: {  	[sflag:s31] =	ssyncpa.u1 $0x1  }
0x5f: {  	p0 =	sne.s32 s0, $0x0;
	_ =	strace $0x9000004A  }
0x60: {  	s0 =	sadd.s32 @!p0 $0x100000, s1;
	[bflag:$0x2] =	sbarrier.arrive $0xFFFF  }
0x61: {  	[sflag:s0] =	ssyncadd.tile.s32 @!p0 $0x1;
	_ =	shalt  }
.Lfunc_end2:
_tile_overlayer_lowered:
.L_overlay_start_2:
0x62: {  	(tag) =	ssettag $0x2  }
0x63: {  	s0 =	rddreg [dreg:$0x0];
	s2 =	stileid.u32  }
0x64: {  	s1 =	rddreg [dreg:$0x1];
	p0 =	sne.s32 s2, $0x0  }
0x65: {  	s3 =	rddreg [dreg:$0x2];
	[bflag:$0x3] =	sbarrier.arrive $0xFFFF;
	s2 =	simm.s32 @!p0 $0x1C01  }
0x66: {  	[timem:s3], [sflag:s2] =	dma.local @!p0 [hbm:s0], s1  }
0x67: {  	s0 =	simm.s32 @!p0 $0x1  }
0x68: {  	_ =	swait.ge @!p0 [sflag:s0], s1  }
0x69: {  	s1 =	ssub.s32 @!p0 $0x0, s1;
	[sflag:s0] =	ssyncset.done @!p0 $0x0  }
0x6a: {  	[sflag:s0] =	ssyncadd.s32 @!p0 s1  }
0x6b: {  	[bflag:$0x3] =	sbarrier.arrive $0xFFFF  }
0x6c: {  	_ =	shalt  }

</sc_bundles>
